<compile_context>
chip_gen: v7x
topology: tpu7x:2x2x1
jax: 0.10.2.dev20260603
libtpu: 0.0.44.dev20260713+nightly
codegen_flags: <defaults>
</compile_context>

<pallas_src>
import functools

import jax
import jax.numpy as jnp
from jax import lax
from jax.experimental import pallas as pl
from jax.experimental.pallas import tpu as pltpu
from jax.experimental.pallas import tpu_sc as plsc

N = 10000
NE = 320000
D = 128

NC = 2
NS = 16
NW = NC * NS

EPW = NE // NW

B = 128
NB0 = 80
NB1 = 80
CH = 8
TOT_B = NS * (NB0 + NB1)
SLOTS = TOT_B * B
ACC_ROWS = 10240
RPT = ACC_ROWS // NS
TRASH0 = N + 16

_MESH = plsc.VectorSubcoreMesh(core_axis_name="c", subcore_axis_name="s")


@functools.partial(
    pl.kernel,
    out_type=jax.ShapeDtypeStruct((NW, N), jnp.float32),
    mesh=_MESH,
    compiler_params=pltpu.CompilerParams(needs_layout_passes=False),
    scratch_types=[
        pltpu.VMEM((EPW,), jnp.int32),
        pltpu.VMEM((N,), jnp.float32),
    ],
)
def _deg_kernel(dst_hbm, part_hbm, idx_v, hist_v):
    cid = lax.axis_index("c")
    sid = lax.axis_index("s")
    wid = sid * NC + cid

    pltpu.sync_copy(dst_hbm.at[pl.ds(wid * EPW, EPW)], idx_v)

    zeros = jnp.zeros((16,), jnp.float32)

    def _zero(i, carry):
        hist_v[pl.ds(i * 16, 16)] = zeros
        return carry

    lax.fori_loop(0, N // 16, _zero, 0)

    ones = jnp.ones((16,), jnp.float32)

    def _scat(i, carry):
        idx = idx_v[pl.ds(i * 16, 16)]
        plsc.addupdate_scatter(hist_v, [idx], ones)
        return carry

    lax.fori_loop(0, EPW // 16, _scat, 0)

    pltpu.sync_copy(hist_v, part_hbm.at[wid])


def _dense_body(x_ref, ws_ref, wc_ref, bs_ref, bc_ref, degp_ref, hp_ref, base_ref):
    xb = x_ref[...]
    deg = jnp.sum(degp_ref[0], axis=0) + 1.0
    dinv = lax.rsqrt(deg)
    h = jnp.dot(xb, wc_ref[...], preferred_element_type=jnp.float32)
    hp = h * dinv[:, None]
    base = (
        jnp.dot(xb, ws_ref[...], preferred_element_type=jnp.float32)
        + bs_ref[...]
        + bc_ref[...]
        + hp * dinv[:, None]
    )
    hp_ref[...] = hp
    base_ref[...] = base


_R = 1000


def _dense(x, W_self, W_conv, b_self, b_conv, degp):
    return pl.pallas_call(
        _dense_body,
        grid=(N // _R,),
        in_specs=[
            pl.BlockSpec((_R, D), lambda i: (i, 0)),
            pl.BlockSpec((D, D), lambda i: (0, 0)),
            pl.BlockSpec((D, D), lambda i: (0, 0)),
            pl.BlockSpec((1, D), lambda i: (0, 0)),
            pl.BlockSpec((1, D), lambda i: (0, 0)),
            pl.BlockSpec((1, NW, _R), lambda i: (i, 0, 0)),
        ],
        out_specs=[
            pl.BlockSpec((_R, D), lambda i: (i, 0)),
            pl.BlockSpec((_R, D), lambda i: (i, 0)),
        ],
        out_shape=[
            jax.ShapeDtypeStruct((N, D), jnp.float32),
            jax.ShapeDtypeStruct((N, D), jnp.float32),
        ],
    )(x, W_self, W_conv, b_self, b_conv, degp)


@functools.partial(
    pl.kernel,
    out_type=jax.ShapeDtypeStruct((NC, ACC_ROWS, D), jnp.float32),
    mesh=_MESH,
    scratch_types=[
        pltpu.VMEM((CH, B), jnp.int32),
        pltpu.VMEM((CH, B), jnp.int32),
        pltpu.VMEM((CH, B), jnp.int32),
        pltpu.VMEM((CH, B), jnp.int32),
        pltpu.VMEM((B, D), jnp.float32),
        pltpu.VMEM((B, D), jnp.float32),
        pltpu.VMEM((16, D), jnp.float32),
        pltpu.VMEM_SHARED((ACC_ROWS, D), jnp.float32),
        pltpu.SemaphoreType.DMA,
        pltpu.SemaphoreType.DMA,
        pltpu.SemaphoreType.DMA,
        pltpu.SemaphoreType.DMA,
    ],
)
def _edge_kernel(hp_hbm, idx_hbm, part_hbm,
                 ichs0_v, ichs1_v, ichd0_v, ichd1_v, rows0_v, rows1_v,
                 zst_v, acc_sh, semr0, semr1, semi0, semi1):
    cid = lax.axis_index("c")
    sid = lax.axis_index("s")

    nb = jnp.where(cid == 0, NB0, NB1)
    nch = nb // CH
    base_b = jnp.where(cid == 0, sid * NB0, NS * NB0 + sid * NB1)

    zeros = jnp.zeros((16,), jnp.float32)

    def _zrow(i, carry):
        def _zcol(c, carry2):
            zst_v[i, pl.ds(c * 16, 16)] = zeros
            return carry2

        return lax.fori_loop(0, D // 16, _zcol, carry)

    lax.fori_loop(0, 16, _zrow, 0)

    def _zacc(j, carry):
        pltpu.sync_copy(zst_v, acc_sh.at[pl.ds(sid * RPT + j * 16, 16)])
        return carry

    lax.fori_loop(0, RPT // 16, _zacc, 0)

    plsc.subcore_barrier()

    ichs = (ichs0_v, ichs1_v)
    ichd = (ichd0_v, ichd1_v)
    semi = (semi0, semi1)
    rows = (rows0_v, rows1_v)
    semr = (semr0, semr1)
    my_hp = hp_hbm

    def _load_chunk(c, k):
        sl = pl.ds(base_b + c * CH, CH)
        pltpu.async_copy(idx_hbm.at[0].at[sl], ichs[k], semi[k])
        pltpu.async_copy(idx_hbm.at[1].at[sl], ichd[k], semi[k])

    def _wait_chunk(c, k):
        sl = pl.ds(base_b + c * CH, CH)
        pltpu.make_async_copy(idx_hbm.at[0].at[sl], ichs[k], semi[k]).wait()
        pltpu.make_async_copy(idx_hbm.at[1].at[sl], ichd[k], semi[k]).wait()

    @pl.when(nb > 0)
    def _prologue():
        _load_chunk(0, 0)
        _load_chunk(1, 1)
        _wait_chunk(0, 0)
        pltpu.async_copy(my_hp.at[ichs0_v.at[0]], rows0_v, semr0)
        pltpu.async_copy(my_hp.at[ichs0_v.at[1]], rows1_v, semr1)

    def _pair(p, carry):
        b = 2 * p
        c = lax.div(b, CH)
        ci = lax.rem(c, 2)
        bo = lax.rem(b, CH)
        last_pair = bo == CH - 2

        @pl.when(last_pair & (c + 1 < nch))
        def _wait_next():
            for k in range(2):
                @pl.when(ci == k)
                def _w():
                    _wait_chunk(c + 1, 1 - k)

        for half in range(2):
            bb = b + half

            for kc in range(2):
                @pl.when(ci == kc)
                def _drain():
                    pltpu.make_async_copy(
                        my_hp.at[ichs[kc].at[bo + half]],
                        rows[half], semr[half]).wait()
                    pltpu.sync_copy(rows[half],
                                    acc_sh.at[ichd[kc].at[bo + half]],
                                    add=True)

                    @pl.when(bb + 2 < nb)
                    def _next_gather():
                        @pl.when(jnp.logical_not(last_pair))
                        def _same():
                            pltpu.async_copy(
                                my_hp.at[ichs[kc].at[bo + half + 2]],
                                rows[half], semr[half])

                        @pl.when(last_pair)
                        def _next():
                            pltpu.async_copy(
                                my_hp.at[ichs[1 - kc].at[half]],
                                rows[half], semr[half])

        @pl.when(last_pair & (c + 2 < nch))
        def _next_chunk():
            for k in range(2):
                @pl.when(ci == k)
                def _pf():
                    _load_chunk(c + 2, k)

        return carry

    lax.fori_loop(0, nb // 2, _pair, 0)

    plsc.subcore_barrier()

    pltpu.sync_copy(acc_sh.at[pl.ds(sid * RPT, RPT)],
                    part_hbm.at[cid].at[pl.ds(sid * RPT, RPT)])


def _combine_body(base_ref, parts_ref, degp_ref, out_ref):
    deg = jnp.sum(degp_ref[0], axis=0) + 1.0
    dinv = lax.rsqrt(deg)
    s = parts_ref[0] + parts_ref[1]
    out_ref[...] = base_ref[...] + dinv[:, None] * s


def _combine(base, parts, degp):
    return pl.pallas_call(
        _combine_body,
        grid=(N // _R,),
        in_specs=[
            pl.BlockSpec((_R, D), lambda i: (i, 0)),
            pl.BlockSpec((NC, _R, D), lambda i: (0, i, 0)),
            pl.BlockSpec((1, NW, _R), lambda i: (i, 0, 0)),
        ],
        out_specs=pl.BlockSpec((_R, D), lambda i: (i, 0)),
        out_shape=jax.ShapeDtypeStruct((N, D), jnp.float32),
    )(base, parts, degp)


def kernel(x, edge_index, n1, n2, W_self, b_self, W_conv, b_conv):
    ei = edge_index.astype(jnp.int32)
    src = ei[0]
    dst = ei[1]

    degp = _deg_kernel(dst)
    degp_b = degp.reshape(NW, N // _R, _R).swapaxes(0, 1)

    hp, base = _dense(x, W_self, W_conv,
                      b_self.reshape(1, D), b_conv.reshape(1, D), degp_b)

    pad = SLOTS - NE
    pad_src = jnp.arange(pad, dtype=jnp.int32) % N
    trash = TRASH0 + (jnp.arange(pad, dtype=jnp.int32) % (ACC_ROWS - TRASH0))
    idx = jnp.concatenate([ei, jnp.stack([pad_src, trash])], axis=1)
    idx = idx.reshape(2, TOT_B, B)

    parts = _edge_kernel(hp, idx)

    return _combine(base, parts, degp_b)

# --- scband reference (transcript-rebuilt; emitter-appended) ---
"""Pipeline reference for scband-ngmconv-layer-24902220382787 (READ-ONLY COPY).

The authoritative reference and input builder live on the scoring server;
editing this copy changes nothing except your own understanding.
"""

import jax, jax.numpy as jnp
import numpy as np

N_NODES = 10000
N_EDGES = 320000
D_IN = 128
D_OUT = 128


def setup_inputs(seed: int = 0) -> dict:
    key = jax.random.key(seed)
    k1, k2, k3, k4, k5, k6 = jax.random.split(key, 6)
    x = jax.random.normal(k1, (N_NODES, D_IN), dtype=jnp.float32)
    edge_index = jax.random.randint(k2, (2, N_EDGES), 0, N_NODES, dtype=jnp.int64)
    # self_loop Linear params
    W_self = jax.random.normal(k3, (D_IN, D_OUT), dtype=jnp.float32) * 0.05
    b_self = jnp.zeros((D_OUT,), dtype=jnp.float32)
    # GCNConv params
    W_conv = jax.random.normal(k4, (D_IN, D_OUT), dtype=jnp.float32) * 0.05
    b_conv = jnp.zeros((D_OUT,), dtype=jnp.float32)
    return {"x": x, "edge_index": edge_index, "n1": 100, "n2": 100,
            "W_self": W_self, "b_self": b_self, "W_conv": W_conv, "b_conv": b_conv}


def _gcn_conv(x, edge_index, W, b):
    # torch_geometric GCNConv: add self-loops, symmetric normalization,
    # out[dst] += deg[src]^-1/2 * deg[dst]^-1/2 * (x @ W)[src], then + bias
    N = x.shape[0]
    loop = jnp.arange(N, dtype=edge_index.dtype)
    src = jnp.concatenate([edge_index[0], loop])
    dst = jnp.concatenate([edge_index[1], loop])
    h = x @ W
    deg = jnp.zeros((N,), dtype=x.dtype).at[dst].add(1.0)
    deg_inv_sqrt = jnp.where(deg > 0, deg ** -0.5, 0.0)
    norm = deg_inv_sqrt[src] * deg_inv_sqrt[dst]
    msg = h[src] * norm[:, None]
    out = jnp.zeros((N, W.shape[1]), dtype=x.dtype).at[dst].add(msg)
    return out + b


def reference(x, edge_index, n1, n2, W_self, b_self, W_conv, b_conv):
    # NGMConvLayer.forward with sk_channel=0 (classifier is None)
    x_self = x @ W_self + b_self
    x_neigh = _gcn_conv(x, edge_index, W_conv, b_conv)
    x_out = x_self + x_neigh
    return x_out

if __name__ == "__main__":
    import jax
    _d = setup_inputs()
    print(jax.jit(kernel)(*tuple(_d.values())))

</pallas_src>

<mosaic_0001>
#map = affine_map<(d0, d1) -> (0, 0)>
#map1 = affine_map<(d0, d1) -> (0, 0, 0)>
module attributes {stable_mosaic.version = 14 : i64} {
  func.func @_edge_kernel(%arg0: i32, %arg1: i32, %arg2: memref<10000x128xf32, #tpu.memory_space<hbm>>, %arg3: memref<2x2560x128xi32, #tpu.memory_space<hbm>>, %arg4: memref<2x10240x128xf32, #tpu.memory_space<hbm>>, %arg5: memref<8x128xi32, #tpu.memory_space<vmem>>, %arg6: memref<8x128xi32, #tpu.memory_space<vmem>>, %arg7: memref<8x128xi32, #tpu.memory_space<vmem>>, %arg8: memref<8x128xi32, #tpu.memory_space<vmem>>, %arg9: memref<128x128xf32, #tpu.memory_space<vmem>>, %arg10: memref<128x128xf32, #tpu.memory_space<vmem>>, %arg11: memref<16x128xf32, #tpu.memory_space<vmem>>, %arg12: memref<10240x128xf32, #tpu.memory_space<vmem_shared>>, %arg13: memref<!tpu.dma_semaphore, #tpu.memory_space<semaphore_mem>>, %arg14: memref<!tpu.dma_semaphore, #tpu.memory_space<semaphore_mem>>, %arg15: memref<!tpu.dma_semaphore, #tpu.memory_space<semaphore_mem>>, %arg16: memref<!tpu.dma_semaphore, #tpu.memory_space<semaphore_mem>>) attributes {dimension_semantics = [#tpu.dimension_semantics<core_parallel>, #tpu.dimension_semantics<subcore_parallel>], iteration_bounds = array<i64: 2, 16>, scalar_prefetch = 0 : i64, scratch_operands = 12 : i64, tpu.core_type = #tpu.core_type<sc_vector_subcore>, window_params = [{transform_indices = #map}, {transform_indices = #map1}, {transform_indices = #map1}]} {
    %eq3A = arith.constant 0 : i32
    %eq3A_0 = arith.cmpi eq, %arg0, %eq3A : i32
    %jit3A = arith.constant 80 : i32
    %jit3A_1 = arith.constant 80 : i32
    %select_n3A = arith.select %eq3A_0, %jit3A, %jit3A_1 : i32
    %jit3A_2 = arith.constant 8 : i32
    %div3A = arith.divsi %select_n3A, %jit3A_2 : i32
    %sign3A = arith.constant 0 : i32
    %sign3A_3 = arith.cmpi sgt, %select_n3A, %sign3A : i32
    %sign3A_4 = arith.extui %sign3A_3 : i1 to i32
    %sign3A_5 = arith.constant 0 : i32
    %sign3A_6 = arith.cmpi slt, %select_n3A, %sign3A_5 : i32
    %sign3A_7 = arith.extui %sign3A_6 : i1 to i32
    %sign3A_8 = arith.subi %sign3A_4, %sign3A_7 : i32
    %sign3A_9 = arith.constant 0 : i32
    %sign3A_10 = arith.cmpi sgt, %jit3A_2, %sign3A_9 : i32
    %sign3A_11 = arith.extui %sign3A_10 : i1 to i32
    %sign3A_12 = arith.constant 0 : i32
    %sign3A_13 = arith.cmpi slt, %jit3A_2, %sign3A_12 : i32
    %sign3A_14 = arith.extui %sign3A_13 : i1 to i32
    %sign3A_15 = arith.subi %sign3A_11, %sign3A_14 : i32
    %ne3A = arith.cmpi ne, %sign3A_8, %sign3A_15 : i32
    %rem3A = arith.remsi %select_n3A, %jit3A_2 : i32
    %ne3A_16 = arith.constant 0 : i32
    %ne3A_17 = arith.cmpi ne, %rem3A, %ne3A_16 : i32
    %and3A = arith.andi %ne3A, %ne3A_17 : i1
    %sub3A = arith.constant 1 : i32
    %sub3A_18 = arith.subi %div3A, %sub3A : i32
    %select_n3A_19 = arith.select %and3A, %sub3A_18, %div3A : i32
    %eq3A_20 = arith.constant 0 : i32
    %eq3A_21 = arith.cmpi eq, %arg0, %eq3A_20 : i32
    %mul3A = arith.constant 80 : i32
    %mul3A_22 = arith.muli %arg1, %mul3A : i32
    %mul3A_23 = arith.constant 80 : i32
    %mul3A_24 = arith.muli %arg1, %mul3A_23 : i32
    %add3A = arith.constant 1280 : i32
    %add3A_25 = arith.addi %add3A, %mul3A_24 : i32
    %select_n3A_26 = arith.select %eq3A_21, %mul3A_22, %add3A_25 : i32
    %broadcast_in_dim3A = arith.constant 0.000000e+00 : f32
    %broadcast_in_dim3A_27 = vector.broadcast %broadcast_in_dim3A : f32 to vector<16xf32>
    %scan3A = arith.constant 0 : i32
    %scan3A_28 = arith.constant 0 : i32
    %scan3A_29 = arith.constant 16 : i32
    %scan3A_30 = arith.addi %scan3A_28, %scan3A_29 : i32
    %scan3A_31 = arith.constant 1 : i32
    scf.for %scan3A_79 = %scan3A_28 to %scan3A_30 step %scan3A_31  : i32 {
      %scan3A_80 = arith.constant 0 : i32
      %scan3A_81 = arith.constant 8 : i32
      %scan3A_82 = arith.addi %scan3A_80, %scan3A_81 : i32
      %scan3A_83 = arith.constant 1 : i32
      scf.for %scan3A_85 = %scan3A_80 to %scan3A_82 step %scan3A_83  : i32 {
        %mul3A_86 = arith.constant 16 : i32
        %mul3A_87 = arith.muli %scan3A_85, %mul3A_86 : i32
        %swap3A = arith.index_cast %scan3A_79 : i32 to index
        %swap3A_88 = arith.index_cast %mul3A_87 : i32 to index
        %swap3A_89 = tpu.vector_load %arg11[%swap3A, %swap3A_88] {strides = array<i32>} : memref<16x128xf32, #tpu.memory_space<vmem>>, vector<1x16xf32>,
        %swap3A_90 = vector.shape_cast %swap3A_89 : vector<1x16xf32> to vector<16xf32>
        %swap3A_91 = vector.shape_cast %broadcast_in_dim3A_27 : vector<16xf32> to vector<1x16xf32>
        tpu.vector_store %arg11[%swap3A, %swap3A_88], %swap3A_91 {strides = array<i32>} : memref<16x128xf32, #tpu.memory_space<vmem>>, vector<1x16xf32>,
      }
      %scan3A_84 = arith.constant 8 : i32
    }
    %scan3A_32 = arith.constant 16 : i32
    %scan3A_33 = arith.constant 0 : i32
    %scan3A_34 = arith.constant 0 : i32
    %scan3A_35 = arith.constant 40 : i32
    %scan3A_36 = arith.addi %scan3A_34, %scan3A_35 : i32
    %scan3A_37 = arith.constant 1 : i32
    scf.for %scan3A_79 = %scan3A_34 to %scan3A_36 step %scan3A_37  : i32 {
      %mul3A_80 = arith.constant 640 : i32
      %mul3A_81 = arith.muli %arg1, %mul3A_80 : i32
      %mul3A_82 = arith.constant 16 : i32
      %mul3A_83 = arith.muli %scan3A_79, %mul3A_82 : i32
      %add3A_84 = arith.addi %mul3A_81, %mul3A_83 : i32
      "tpu.region"() ({
        %run_scoped3A = tpu.sem_alloc : memref<!tpu.dma_semaphore, #tpu.memory_space<semaphore_mem>>
        %dma_start3A = arith.constant 0 : i32
        %dma_start3A_85 = tpu.memref_slice %arg12[%add3A_84, %dma_start3A] : memref<10240x128xf32, #tpu.memory_space<vmem_shared>> -> memref<16x128xf32, #tpu.memory_space<vmem_shared>>
        %dma_start3A_86 = arith.constant 0 : i32
        %dma_start3A_87 = tpu.memref_slice %arg12[%add3A_84, %dma_start3A_86] : memref<10240x128xf32, #tpu.memory_space<vmem_shared>> -> memref<16x128xf32, #tpu.memory_space<vmem_shared>>
        tpu.enqueue_dma source(%arg11 : memref<16x128xf32, #tpu.memory_space<vmem>>) target(%dma_start3A_87 : memref<16x128xf32, #tpu.memory_space<vmem_shared>>) target_semaphore(%run_scoped3A : memref<!tpu.dma_semaphore, #tpu.memory_space<semaphore_mem>>)
        %dma_wait3A = arith.constant 0 : i32
        %dma_wait3A_88 = tpu.memref_slice %arg12[%add3A_84, %dma_wait3A] : memref<10240x128xf32, #tpu.memory_space<vmem_shared>> -> memref<16x128xf32, #tpu.memory_space<vmem_shared>>
        %dma_wait3A_89 = arith.constant 0 : i32
        %dma_wait3A_90 = tpu.memref_slice %arg12[%add3A_84, %dma_wait3A_89] : memref<10240x128xf32, #tpu.memory_space<vmem_shared>> -> memref<16x128xf32, #tpu.memory_space<vmem_shared>>
        tpu.wait_dma2 semaphore(%run_scoped3A : memref<!tpu.dma_semaphore, #tpu.memory_space<semaphore_mem>>) src(%arg11 : memref<16x128xf32, #tpu.memory_space<vmem>>) dst(%dma_wait3A_90 : memref<16x128xf32, #tpu.memory_space<vmem_shared>>)
        tpu.yield
      }) : () -> ()
    }
    %scan3A_38 = arith.constant 40 : i32
    %barrier3A = arith.constant 0 : index
    tpu.barrier barrier_id(%barrier3A)
    %gt3A = arith.constant 0 : i32
    %gt3A_39 = arith.cmpi sgt, %select_n3A, %gt3A : i32
    %convert_element_type3A = arith.extui %gt3A_39 : i1 to i32
    %cond3A = arith.constant 0 : i32
    %cond3A_40 = arith.cmpi ne, %convert_element_type3A, %cond3A : i32
    scf.if %cond3A_40 {
      %add3A_79 = arith.constant 0 : i32
      %add3A_80 = arith.addi %select_n3A_26, %add3A_79 : i32
      %dma_start3A = arith.constant 0 : i32
      %dma_start3A_81 = arith.constant 0 : i32
      %dma_start3A_82 = arith.constant 0 : i32
      %dma_start3A_83 = tpu.memref_slice %arg3[%dma_start3A, %dma_start3A_81, %dma_start3A_82] : memref<2x2560x128xi32, #tpu.memory_space<hbm>> -> memref<1x2560x128xi32, #tpu.memory_space<hbm>>
      %dma_start3A_84 = tpu.memref_squeeze %dma_start3A_83 : memref<1x2560x128xi32, #tpu.memory_space<hbm>> -> memref<2560x128xi32, #tpu.memory_space<hbm>>
      %dma_start3A_85 = arith.constant 0 : i32
      %dma_start3A_86 = tpu.memref_slice %dma_start3A_84[%add3A_80, %dma_start3A_85] : memref<2560x128xi32, #tpu.memory_space<hbm>> -> memref<8x128xi32, #tpu.memory_space<hbm>>
      %dma_start3A_87 = arith.constant 0 : i32
      %dma_start3A_88 = arith.constant 0 : i32
      %dma_start3A_89 = tpu.memref_slice %arg3[%dma_start3A, %dma_start3A_87, %dma_start3A_88] : memref<2x2560x128xi32, #tpu.memory_space<hbm>> -> memref<1x2560x128xi32, #tpu.memory_space<hbm>>
      %dma_start3A_90 = tpu.memref_squeeze %dma_start3A_89 : memref<1x2560x128xi32, #tpu.memory_space<hbm>> -> memref<2560x128xi32, #tpu.memory_space<hbm>>
      %dma_start3A_91 = arith.constant 0 : i32
      %dma_start3A_92 = tpu.memref_slice %dma_start3A_90[%add3A_80, %dma_start3A_91] : memref<2560x128xi32, #tpu.memory_space<hbm>> -> memref<8x128xi32, #tpu.memory_space<hbm>>
      tpu.enqueue_dma source(%dma_start3A_92 : memref<8x128xi32, #tpu.memory_space<hbm>>) target(%arg5 : memref<8x128xi32, #tpu.memory_space<vmem>>) target_semaphore(%arg15 : memref<!tpu.dma_semaphore, #tpu.memory_space<semaphore_mem>>)
      %dma_start3A_93 = arith.constant 1 : i32
      %dma_start3A_94 = arith.constant 0 : i32
      %dma_start3A_95 = arith.constant 0 : i32
      %dma_start3A_96 = tpu.memref_slice %arg3[%dma_start3A_93, %dma_start3A_94, %dma_start3A_95] : memref<2x2560x128xi32, #tpu.memory_space<hbm>> -> memref<1x2560x128xi32, #tpu.memory_space<hbm>>
      %dma_start3A_97 = tpu.memref_squeeze %dma_start3A_96 : memref<1x2560x128xi32, #tpu.memory_space<hbm>> -> memref<2560x128xi32, #tpu.memory_space<hbm>>
      %dma_start3A_98 = arith.constant 0 : i32
      %dma_start3A_99 = tpu.memref_slice %dma_start3A_97[%add3A_80, %dma_start3A_98] : memref<2560x128xi32, #tpu.memory_space<hbm>> -> memref<8x128xi32, #tpu.memory_space<hbm>>
      %dma_start3A_100 = arith.constant 0 : i32
      %dma_start3A_101 = arith.constant 0 : i32
      %dma_start3A_102 = tpu.memref_slice %arg3[%dma_start3A_93, %dma_start3A_100, %dma_start3A_101] : memref<2x2560x128xi32, #tpu.memory_space<hbm>> -> memref<1x2560x128xi32, #tpu.memory_space<hbm>>
      %dma_start3A_103 = tpu.memref_squeeze %dma_start3A_102 : memref<1x2560x128xi32, #tpu.memory_space<hbm>> -> memref<2560x128xi32, #tpu.memory_space<hbm>>
      %dma_start3A_104 = arith.constant 0 : i32
      %dma_start3A_105 = tpu.memref_slice %dma_start3A_103[%add3A_80, %dma_start3A_104] : memref<2560x128xi32, #tpu.memory_space<hbm>> -> memref<8x128xi32, #tpu.memory_space<hbm>>
      tpu.enqueue_dma source(%dma_start3A_105 : memref<8x128xi32, #tpu.memory_space<hbm>>) target(%arg7 : memref<8x128xi32, #tpu.memory_space<vmem>>) target_semaphore(%arg15 : memref<!tpu.dma_semaphore, #tpu.memory_space<semaphore_mem>>)
      %add3A_106 = arith.constant 8 : i32
      %add3A_107 = arith.addi %select_n3A_26, %add3A_106 : i32
      %dma_start3A_108 = arith.constant 0 : i32
      %dma_start3A_109 = arith.constant 0 : i32
      %dma_start3A_110 = arith.constant 0 : i32
      %dma_start3A_111 = tpu.memref_slice %arg3[%dma_start3A_108, %dma_start3A_109, %dma_start3A_110] : memref<2x2560x128xi32, #tpu.memory_space<hbm>> -> memref<1x2560x128xi32, #tpu.memory_space<hbm>>
      %dma_start3A_112 = tpu.memref_squeeze %dma_start3A_111 : memref<1x2560x128xi32, #tpu.memory_space<hbm>> -> memref<2560x128xi32, #tpu.memory_space<hbm>>
      %dma_start3A_113 = arith.constant 0 : i32
      %dma_start3A_114 = tpu.memref_slice %dma_start3A_112[%add3A_107, %dma_start3A_113] : memref<2560x128xi32, #tpu.memory_space<hbm>> -> memref<8x128xi32, #tpu.memory_space<hbm>>
      %dma_start3A_115 = arith.constant 0 : i32
      %dma_start3A_116 = arith.constant 0 : i32
      %dma_start3A_117 = tpu.memref_slice %arg3[%dma_start3A_108, %dma_start3A_115, %dma_start3A_116] : memref<2x2560x128xi32, #tpu.memory_space<hbm>> -> memref<1x2560x128xi32, #tpu.memory_space<hbm>>
      %dma_start3A_118 = tpu.memref_squeeze %dma_start3A_117 : memref<1x2560x128xi32, #tpu.memory_space<hbm>> -> memref<2560x128xi32, #tpu.memory_space<hbm>>
      %dma_start3A_119 = arith.constant 0 : i32
      %dma_start3A_120 = tpu.memref_slice %dma_start3A_118[%add3A_107, %dma_start3A_119] : memref<2560x128xi32, #tpu.memory_space<hbm>> -> memref<8x128xi32, #tpu.memory_space<hbm>>
      tpu.enqueue_dma source(%dma_start3A_120 : memref<8x128xi32, #tpu.memory_space<hbm>>) target(%arg6 : memref<8x128xi32, #tpu.memory_space<vmem>>) target_semaphore(%arg16 : memref<!tpu.dma_semaphore, #tpu.memory_space<semaphore_mem>>)
      %dma_start3A_121 = arith.constant 1 : i32
      %dma_start3A_122 = arith.constant 0 : i32
      %dma_start3A_123 = arith.constant 0 : i32
      %dma_start3A_124 = tpu.memref_slice %arg3[%dma_start3A_121, %dma_start3A_122, %dma_start3A_123] : memref<2x2560x128xi32, #tpu.memory_space<hbm>> -> memref<1x2560x128xi32, #tpu.memory_space<hbm>>
      %dma_start3A_125 = tpu.memref_squeeze %dma_start3A_124 : memref<1x2560x128xi32, #tpu.memory_space<hbm>> -> memref<2560x128xi32, #tpu.memory_space<hbm>>
      %dma_start3A_126 = arith.constant 0 : i32
      %dma_start3A_127 = tpu.memref_slice %dma_start3A_125[%add3A_107, %dma_start3A_126] : memref<2560x128xi32, #tpu.memory_space<hbm>> -> memref<8x128xi32, #tpu.memory_space<hbm>>
      %dma_start3A_128 = arith.constant 0 : i32
      %dma_start3A_129 = arith.constant 0 : i32
      %dma_start3A_130 = tpu.memref_slice %arg3[%dma_start3A_121, %dma_start3A_128, %dma_start3A_129] : memref<2x2560x128xi32, #tpu.memory_space<hbm>> -> memref<1x2560x128xi32, #tpu.memory_space<hbm>>
      %dma_start3A_131 = tpu.memref_squeeze %dma_start3A_130 : memref<1x2560x128xi32, #tpu.memory_space<hbm>> -> memref<2560x128xi32, #tpu.memory_space<hbm>>
      %dma_start3A_132 = arith.constant 0 : i32
      %dma_start3A_133 = tpu.memref_slice %dma_start3A_131[%add3A_107, %dma_start3A_132] : memref<2560x128xi32, #tpu.memory_space<hbm>> -> memref<8x128xi32, #tpu.memory_space<hbm>>
      tpu.enqueue_dma source(%dma_start3A_133 : memref<8x128xi32, #tpu.memory_space<hbm>>) target(%arg8 : memref<8x128xi32, #tpu.memory_space<vmem>>) target_semaphore(%arg16 : memref<!tpu.dma_semaphore, #tpu.memory_space<semaphore_mem>>)
      %add3A_134 = arith.constant 0 : i32
      %add3A_135 = arith.addi %select_n3A_26, %add3A_134 : i32
      %dma_wait3A = arith.constant 0 : i32
      %dma_wait3A_136 = arith.constant 0 : i32
      %dma_wait3A_137 = arith.constant 0 : i32
      %dma_wait3A_138 = tpu.memref_slice %arg3[%dma_wait3A, %dma_wait3A_136, %dma_wait3A_137] : memref<2x2560x128xi32, #tpu.memory_space<hbm>> -> memref<1x2560x128xi32, #tpu.memory_space<hbm>>
      %dma_wait3A_139 = tpu.memref_squeeze %dma_wait3A_138 : memref<1x2560x128xi32, #tpu.memory_space<hbm>> -> memref<2560x128xi32, #tpu.memory_space<hbm>>
      %dma_wait3A_140 = arith.constant 0 : i32
      %dma_wait3A_141 = tpu.memref_slice %dma_wait3A_139[%add3A_135, %dma_wait3A_140] : memref<2560x128xi32, #tpu.memory_space<hbm>> -> memref<8x128xi32, #tpu.memory_space<hbm>>
      %dma_wait3A_142 = arith.constant 0 : i32
      %dma_wait3A_143 = arith.constant 0 : i32
      %dma_wait3A_144 = tpu.memref_slice %arg3[%dma_wait3A, %dma_wait3A_142, %dma_wait3A_143] : memref<2x2560x128xi32, #tpu.memory_space<hbm>> -> memref<1x2560x128xi32, #tpu.memory_space<hbm>>
      %dma_wait3A_145 = tpu.memref_squeeze %dma_wait3A_144 : memref<1x2560x128xi32, #tpu.memory_space<hbm>> -> memref<2560x128xi32, #tpu.memory_space<hbm>>
      %dma_wait3A_146 = arith.constant 0 : i32
      %dma_wait3A_147 = tpu.memref_slice %dma_wait3A_145[%add3A_135, %dma_wait3A_146] : memref<2560x128xi32, #tpu.memory_space<hbm>> -> memref<8x128xi32, #tpu.memory_space<hbm>>
      tpu.wait_dma2 semaphore(%arg15 : memref<!tpu.dma_semaphore, #tpu.memory_space<semaphore_mem>>) src(%dma_wait3A_147 : memref<8x128xi32, #tpu.memory_space<hbm>>) dst(%arg5 : memref<8x128xi32, #tpu.memory_space<vmem>>)
      %dma_wait3A_148 = arith.constant 1 : i32
      %dma_wait3A_149 = arith.constant 0 : i32
      %dma_wait3A_150 = arith.constant 0 : i32
      %dma_wait3A_151 = tpu.memref_slice %arg3[%dma_wait3A_148, %dma_wait3A_149, %dma_wait3A_150] : memref<2x2560x128xi32, #tpu.memory_space<hbm>> -> memref<1x2560x128xi32, #tpu.memory_space<hbm>>
      %dma_wait3A_152 = tpu.memref_squeeze %dma_wait3A_151 : memref<1x2560x128xi32, #tpu.memory_space<hbm>> -> memref<2560x128xi32, #tpu.memory_space<hbm>>
      %dma_wait3A_153 = arith.constant 0 : i32
      %dma_wait3A_154 = tpu.memref_slice %dma_wait3A_152[%add3A_135, %dma_wait3A_153] : memref<2560x128xi32, #tpu.memory_space<hbm>> -> memref<8x128xi32, #tpu.memory_space<hbm>>
      %dma_wait3A_155 = arith.constant 0 : i32
      %dma_wait3A_156 = arith.constant 0 : i32
      %dma_wait3A_157 = tpu.memref_slice %arg3[%dma_wait3A_148, %dma_wait3A_155, %dma_wait3A_156] : memref<2x2560x128xi32, #tpu.memory_space<hbm>> -> memref<1x2560x128xi32, #tpu.memory_space<hbm>>
      %dma_wait3A_158 = tpu.memref_squeeze %dma_wait3A_157 : memref<1x2560x128xi32, #tpu.memory_space<hbm>> -> memref<2560x128xi32, #tpu.memory_space<hbm>>
      %dma_wait3A_159 = arith.constant 0 : i32
      %dma_wait3A_160 = tpu.memref_slice %dma_wait3A_158[%add3A_135, %dma_wait3A_159] : memref<2560x128xi32, #tpu.memory_space<hbm>> -> memref<8x128xi32, #tpu.memory_space<hbm>>
      tpu.wait_dma2 semaphore(%arg15 : memref<!tpu.dma_semaphore, #tpu.memory_space<semaphore_mem>>) src(%dma_wait3A_160 : memref<8x128xi32, #tpu.memory_space<hbm>>) dst(%arg7 : memref<8x128xi32, #tpu.memory_space<vmem>>)
      %dma_start3A_161 = arith.constant 0 : i32
      %dma_start3A_162 = arith.constant 0 : i32
      %dma_start3A_163 = tpu.memref_slice %arg5[%dma_start3A_161, %dma_start3A_162] : memref<8x128xi32, #tpu.memory_space<vmem>> -> memref<1x128xi32, #tpu.memory_space<vmem>>
      %dma_start3A_164 = tpu.memref_squeeze %dma_start3A_163 : memref<1x128xi32, #tpu.memory_space<vmem>> -> memref<128xi32, #tpu.memory_space<vmem>>
      %dma_start3A_165 = arith.constant 0 : i32
      %dma_start3A_166 = arith.constant 0 : i32
      %dma_start3A_167 = tpu.memref_slice %arg2[%dma_start3A_165, %dma_start3A_166] : memref<10000x128xf32, #tpu.memory_space<hbm>> -> memref<10000x128xf32, #tpu.memory_space<hbm>>
      tpu.enqueue_indirect_dma source(%dma_start3A_167 : memref<10000x128xf32, #tpu.memory_space<hbm>>) target(%arg9 : memref<128x128xf32, #tpu.memory_space<vmem>>) offsets(%dma_start3A_164 : memref<128xi32, #tpu.memory_space<vmem>>) semaphore(%arg13 : memref<!tpu.dma_semaphore, #tpu.memory_space<semaphore_mem>>)
      %dma_start3A_168 = arith.constant 1 : i32
      %dma_start3A_169 = arith.constant 0 : i32
      %dma_start3A_170 = tpu.memref_slice %arg5[%dma_start3A_168, %dma_start3A_169] : memref<8x128xi32, #tpu.memory_space<vmem>> -> memref<1x128xi32, #tpu.memory_space<vmem>>
      %dma_start3A_171 = tpu.memref_squeeze %dma_start3A_170 : memref<1x128xi32, #tpu.memory_space<vmem>> -> memref<128xi32, #tpu.memory_space<vmem>>
      %dma_start3A_172 = arith.constant 0 : i32
      %dma_start3A_173 = arith.constant 0 : i32
      %dma_start3A_174 = tpu.memref_slice %arg2[%dma_start3A_172, %dma_start3A_173] : memref<10000x128xf32, #tpu.memory_space<hbm>> -> memref<10000x128xf32, #tpu.memory_space<hbm>>
      tpu.enqueue_indirect_dma source(%dma_start3A_174 : memref<10000x128xf32, #tpu.memory_space<hbm>>) target(%arg10 : memref<128x128xf32, #tpu.memory_space<vmem>>) offsets(%dma_start3A_171 : memref<128xi32, #tpu.memory_space<vmem>>) semaphore(%arg14 : memref<!tpu.dma_semaphore, #tpu.memory_space<semaphore_mem>>)
    } else {
    }
    %jit3A_41 = arith.constant 2 : i32
    %div3A_42 = arith.divsi %select_n3A, %jit3A_41 : i32
    %sign3A_43 = arith.constant 0 : i32
    %sign3A_44 = arith.cmpi sgt, %select_n3A, %sign3A_43 : i32
    %sign3A_45 = arith.extui %sign3A_44 : i1 to i32
    %sign3A_46 = arith.constant 0 : i32
    %sign3A_47 = arith.cmpi slt, %select_n3A, %sign3A_46 : i32
    %sign3A_48 = arith.extui %sign3A_47 : i1 to i32
    %sign3A_49 = arith.subi %sign3A_45, %sign3A_48 : i32
    %sign3A_50 = arith.constant 0 : i32
    %sign3A_51 = arith.cmpi sgt, %jit3A_41, %sign3A_50 : i32
    %sign3A_52 = arith.extui %sign3A_51 : i1 to i32
    %sign3A_53 = arith.constant 0 : i32
    %sign3A_54 = arith.cmpi slt, %jit3A_41, %sign3A_53 : i32
    %sign3A_55 = arith.extui %sign3A_54 : i1 to i32
    %sign3A_56 = arith.subi %sign3A_52, %sign3A_55 : i32
    %ne3A_57 = arith.cmpi ne, %sign3A_49, %sign3A_56 : i32
    %rem3A_58 = arith.remsi %select_n3A, %jit3A_41 : i32
    %ne3A_59 = arith.constant 0 : i32
    %ne3A_60 = arith.cmpi ne, %rem3A_58, %ne3A_59 : i32
    %and3A_61 = arith.andi %ne3A_57, %ne3A_60 : i1
    %sub3A_62 = arith.constant 1 : i32
    %sub3A_63 = arith.subi %div3A_42, %sub3A_62 : i32
    %select_n3A_64 = arith.select %and3A_61, %sub3A_63, %div3A_42 : i32
    %while3A = arith.constant 0 : i32
    %while3A_65 = arith.constant 0 : i32
    %while3A_66 = arith.subi %select_n3A_64, %while3A_65 : i32
    %while3A_67 = arith.addi %while3A_65, %while3A_66 : i32
    %while3A_68 = arith.constant 1 : i32
    %while3A_69 = arith.divsi %while3A_66, %while3A_68 : i32
    %while3A_70 = arith.muli %while3A_69, %while3A_68 : i32
    %while3A_71 = arith.addi %while3A_65, %while3A_70 : i32
    %while3A_72 = arith.constant 1 : i32
    scf.for %while3A_79 = %while3A_65 to %while3A_71 step %while3A_72  : i32 {
      %mul3A_80 = arith.constant 2 : i32
      %mul3A_81 = arith.muli %mul3A_80, %while3A_79 : i32
      %div3A_82 = arith.constant 8 : i32
      %div3A_83 = arith.divsi %mul3A_81, %div3A_82 : i32
      %rem3A_84 = arith.constant 2 : i32
      %rem3A_85 = arith.remsi %div3A_83, %rem3A_84 : i32
      %rem3A_86 = arith.constant 8 : i32
      %rem3A_87 = arith.remsi %mul3A_81, %rem3A_86 : i32
      %eq3A_88 = arith.constant 6 : i32
      %eq3A_89 = arith.cmpi eq, %rem3A_87, %eq3A_88 : i32
      %add3A_90 = arith.constant 1 : i32
      %add3A_91 = arith.addi %div3A_83, %add3A_90 : i32
      %lt3A = arith.cmpi slt, %add3A_91, %select_n3A_19 : i32
      %and3A_92 = arith.andi %eq3A_89, %lt3A : i1
      %convert_element_type3A_93 = arith.extui %and3A_92 : i1 to i32
      %cond3A_94 = arith.constant 0 : i32
      %cond3A_95 = arith.cmpi ne, %convert_element_type3A_93, %cond3A_94 : i32
      scf.if %cond3A_95 {
        %eq3A_127 = arith.constant 0 : i32
        %eq3A_128 = arith.cmpi eq, %rem3A_85, %eq3A_127 : i32
        %convert_element_type3A_129 = arith.extui %eq3A_128 : i1 to i32
        %cond3A_130 = arith.constant 0 : i32
        %cond3A_131 = arith.cmpi ne, %convert_element_type3A_129, %cond3A_130 : i32
        scf.if %cond3A_131 {
          %add3A_137 = arith.constant 1 : i32
          %add3A_138 = arith.addi %div3A_83, %add3A_137 : i32
          %mul3A_139 = arith.constant 8 : i32
          %mul3A_140 = arith.muli %add3A_138, %mul3A_139 : i32
          %add3A_141 = arith.addi %select_n3A_26, %mul3A_140 : i32
          %dma_wait3A = arith.constant 0 : i32
          %dma_wait3A_142 = arith.constant 0 : i32
          %dma_wait3A_143 = arith.constant 0 : i32
          %dma_wait3A_144 = tpu.memref_slice %arg3[%dma_wait3A, %dma_wait3A_142, %dma_wait3A_143] : memref<2x2560x128xi32, #tpu.memory_space<hbm>> -> memref<1x2560x128xi32, #tpu.memory_space<hbm>>
          %dma_wait3A_145 = tpu.memref_squeeze %dma_wait3A_144 : memref<1x2560x128xi32, #tpu.memory_space<hbm>> -> memref<2560x128xi32, #tpu.memory_space<hbm>>
          %dma_wait3A_146 = arith.constant 0 : i32
          %dma_wait3A_147 = tpu.memref_slice %dma_wait3A_145[%add3A_141, %dma_wait3A_146] : memref<2560x128xi32, #tpu.memory_space<hbm>> -> memref<8x128xi32, #tpu.memory_space<hbm>>
          %dma_wait3A_148 = arith.constant 0 : i32
          %dma_wait3A_149 = arith.constant 0 : i32
          %dma_wait3A_150 = tpu.memref_slice %arg3[%dma_wait3A, %dma_wait3A_148, %dma_wait3A_149] : memref<2x2560x128xi32, #tpu.memory_space<hbm>> -> memref<1x2560x128xi32, #tpu.memory_space<hbm>>
          %dma_wait3A_151 = tpu.memref_squeeze %dma_wait3A_150 : memref<1x2560x128xi32, #tpu.memory_space<hbm>> -> memref<2560x128xi32, #tpu.memory_space<hbm>>
          %dma_wait3A_152 = arith.constant 0 : i32
          %dma_wait3A_153 = tpu.memref_slice %dma_wait3A_151[%add3A_141, %dma_wait3A_152] : memref<2560x128xi32, #tpu.memory_space<hbm>> -> memref<8x128xi32, #tpu.memory_space<hbm>>
          tpu.wait_dma2 semaphore(%arg16 : memref<!tpu.dma_semaphore, #tpu.memory_space<semaphore_mem>>) src(%dma_wait3A_153 : memref<8x128xi32, #tpu.memory_space<hbm>>) dst(%arg6 : memref<8x128xi32, #tpu.memory_space<vmem>>)
          %dma_wait3A_154 = arith.constant 1 : i32
          %dma_wait3A_155 = arith.constant 0 : i32
          %dma_wait3A_156 = arith.constant 0 : i32
          %dma_wait3A_157 = tpu.memref_slice %arg3[%dma_wait3A_154, %dma_wait3A_155, %dma_wait3A_156] : memref<2x2560x128xi32, #tpu.memory_space<hbm>> -> memref<1x2560x128xi32, #tpu.memory_space<hbm>>
          %dma_wait3A_158 = tpu.memref_squeeze %dma_wait3A_157 : memref<1x2560x128xi32, #tpu.memory_space<hbm>> -> memref<2560x128xi32, #tpu.memory_space<hbm>>
          %dma_wait3A_159 = arith.constant 0 : i32
          %dma_wait3A_160 = tpu.memref_slice %dma_wait3A_158[%add3A_141, %dma_wait3A_159] : memref<2560x128xi32, #tpu.memory_space<hbm>> -> memref<8x128xi32, #tpu.memory_space<hbm>>
          %dma_wait3A_161 = arith.constant 0 : i32
          %dma_wait3A_162 = arith.constant 0 : i32
          %dma_wait3A_163 = tpu.memref_slice %arg3[%dma_wait3A_154, %dma_wait3A_161, %dma_wait3A_162] : memref<2x2560x128xi32, #tpu.memory_space<hbm>> -> memref<1x2560x128xi32, #tpu.memory_space<hbm>>
          %dma_wait3A_164 = tpu.memref_squeeze %dma_wait3A_163 : memref<1x2560x128xi32, #tpu.memory_space<hbm>> -> memref<2560x128xi32, #tpu.memory_space<hbm>>
          %dma_wait3A_165 = arith.constant 0 : i32
          %dma_wait3A_166 = tpu.memref_slice %dma_wait3A_164[%add3A_141, %dma_wait3A_165] : memref<2560x128xi32, #tpu.memory_space<hbm>> -> memref<8x128xi32, #tpu.memory_space<hbm>>
          tpu.wait_dma2 semaphore(%arg16 : memref<!tpu.dma_semaphore, #tpu.memory_space<semaphore_mem>>) src(%dma_wait3A_166 : memref<8x128xi32, #tpu.memory_space<hbm>>) dst(%arg8 : memref<8x128xi32, #tpu.memory_space<vmem>>)
        } else {
        }
        %eq3A_132 = arith.constant 1 : i32
        %eq3A_133 = arith.cmpi eq, %rem3A_85, %eq3A_132 : i32
        %convert_element_type3A_134 = arith.extui %eq3A_133 : i1 to i32
        %cond3A_135 = arith.constant 0 : i32
        %cond3A_136 = arith.cmpi ne, %convert_element_type3A_134, %cond3A_135 : i32
        scf.if %cond3A_136 {
          %add3A_137 = arith.constant 1 : i32
          %add3A_138 = arith.addi %div3A_83, %add3A_137 : i32
          %mul3A_139 = arith.constant 8 : i32
          %mul3A_140 = arith.muli %add3A_138, %mul3A_139 : i32
          %add3A_141 = arith.addi %select_n3A_26, %mul3A_140 : i32
          %dma_wait3A = arith.constant 0 : i32
          %dma_wait3A_142 = arith.constant 0 : i32
          %dma_wait3A_143 = arith.constant 0 : i32
          %dma_wait3A_144 = tpu.memref_slice %arg3[%dma_wait3A, %dma_wait3A_142, %dma_wait3A_143] : memref<2x2560x128xi32, #tpu.memory_space<hbm>> -> memref<1x2560x128xi32, #tpu.memory_space<hbm>>
          %dma_wait3A_145 = tpu.memref_squeeze %dma_wait3A_144 : memref<1x2560x128xi32, #tpu.memory_space<hbm>> -> memref<2560x128xi32, #tpu.memory_space<hbm>>
          %dma_wait3A_146 = arith.constant 0 : i32
          %dma_wait3A_147 = tpu.memref_slice %dma_wait3A_145[%add3A_141, %dma_wait3A_146] : memref<2560x128xi32, #tpu.memory_space<hbm>> -> memref<8x128xi32, #tpu.memory_space<hbm>>
          %dma_wait3A_148 = arith.constant 0 : i32
          %dma_wait3A_149 = arith.constant 0 : i32
          %dma_wait3A_150 = tpu.memref_slice %arg3[%dma_wait3A, %dma_wait3A_148, %dma_wait3A_149] : memref<2x2560x128xi32, #tpu.memory_space<hbm>> -> memref<1x2560x128xi32, #tpu.memory_space<hbm>>
          %dma_wait3A_151 = tpu.memref_squeeze %dma_wait3A_150 : memref<1x2560x128xi32, #tpu.memory_space<hbm>> -> memref<2560x128xi32, #tpu.memory_space<hbm>>
          %dma_wait3A_152 = arith.constant 0 : i32
          %dma_wait3A_153 = tpu.memref_slice %dma_wait3A_151[%add3A_141, %dma_wait3A_152] : memref<2560x128xi32, #tpu.memory_space<hbm>> -> memref<8x128xi32, #tpu.memory_space<hbm>>
          tpu.wait_dma2 semaphore(%arg15 : memref<!tpu.dma_semaphore, #tpu.memory_space<semaphore_mem>>) src(%dma_wait3A_153 : memref<8x128xi32, #tpu.memory_space<hbm>>) dst(%arg5 : memref<8x128xi32, #tpu.memory_space<vmem>>)
          %dma_wait3A_154 = arith.constant 1 : i32
          %dma_wait3A_155 = arith.constant 0 : i32
          %dma_wait3A_156 = arith.constant 0 : i32
          %dma_wait3A_157 = tpu.memref_slice %arg3[%dma_wait3A_154, %dma_wait3A_155, %dma_wait3A_156] : memref<2x2560x128xi32, #tpu.memory_space<hbm>> -> memref<1x2560x128xi32, #tpu.memory_space<hbm>>
          %dma_wait3A_158 = tpu.memref_squeeze %dma_wait3A_157 : memref<1x2560x128xi32, #tpu.memory_space<hbm>> -> memref<2560x128xi32, #tpu.memory_space<hbm>>
          %dma_wait3A_159 = arith.constant 0 : i32
          %dma_wait3A_160 = tpu.memref_slice %dma_wait3A_158[%add3A_141, %dma_wait3A_159] : memref<2560x128xi32, #tpu.memory_space<hbm>> -> memref<8x128xi32, #tpu.memory_space<hbm>>
          %dma_wait3A_161 = arith.constant 0 : i32
          %dma_wait3A_162 = arith.constant 0 : i32
          %dma_wait3A_163 = tpu.memref_slice %arg3[%dma_wait3A_154, %dma_wait3A_161, %dma_wait3A_162] : memref<2x2560x128xi32, #tpu.memory_space<hbm>> -> memref<1x2560x128xi32, #tpu.memory_space<hbm>>
          %dma_wait3A_164 = tpu.memref_squeeze %dma_wait3A_163 : memref<1x2560x128xi32, #tpu.memory_space<hbm>> -> memref<2560x128xi32, #tpu.memory_space<hbm>>
          %dma_wait3A_165 = arith.constant 0 : i32
          %dma_wait3A_166 = tpu.memref_slice %dma_wait3A_164[%add3A_141, %dma_wait3A_165] : memref<2560x128xi32, #tpu.memory_space<hbm>> -> memref<8x128xi32, #tpu.memory_space<hbm>>
          tpu.wait_dma2 semaphore(%arg15 : memref<!tpu.dma_semaphore, #tpu.memory_space<semaphore_mem>>) src(%dma_wait3A_166 : memref<8x128xi32, #tpu.memory_space<hbm>>) dst(%arg7 : memref<8x128xi32, #tpu.memory_space<vmem>>)
        } else {
        }
      } else {
      }
      %add3A_96 = arith.constant 0 : i32
      %add3A_97 = arith.addi %mul3A_81, %add3A_96 : i32
      %eq3A_98 = arith.constant 0 : i32
      %eq3A_99 = arith.cmpi eq, %rem3A_85, %eq3A_98 : i32
      %convert_element_type3A_100 = arith.extui %eq3A_99 : i1 to i32
      %cond3A_101 = arith.constant 0 : i32
      %cond3A_102 = arith.cmpi ne, %convert_element_type3A_100, %cond3A_101 : i32
      scf.if %cond3A_102 {
        %add3A_127 = arith.constant 0 : i32
        %add3A_128 = arith.addi %rem3A_87, %add3A_127 : i32
        %dma_wait3A = arith.constant 0 : i32
        %dma_wait3A_129 = tpu.memref_slice %arg5[%add3A_128, %dma_wait3A] : memref<8x128xi32, #tpu.memory_space<vmem>> -> memref<1x128xi32, #tpu.memory_space<vmem>>
        %dma_wait3A_130 = tpu.memref_squeeze %dma_wait3A_129 : memref<1x128xi32, #tpu.memory_space<vmem>> -> memref<128xi32, #tpu.memory_space<vmem>>
        %dma_wait3A_131 = arith.constant 0 : i32
        %dma_wait3A_132 = arith.constant 0 : i32
        %dma_wait3A_133 = tpu.memref_slice %arg2[%dma_wait3A_131, %dma_wait3A_132] : memref<10000x128xf32, #tpu.memory_space<hbm>> -> memref<10000x128xf32, #tpu.memory_space<hbm>>
        tpu.wait_indirect_dma semaphore(%arg13 : memref<!tpu.dma_semaphore, #tpu.memory_space<semaphore_mem>>) src(%dma_wait3A_133 : memref<10000x128xf32, #tpu.memory_space<hbm>>) dst(%arg9 : memref<128x128xf32, #tpu.memory_space<vmem>>)
        %add3A_134 = arith.constant 0 : i32
        %add3A_135 = arith.addi %rem3A_87, %add3A_134 : i32
        "tpu.region"() ({
          %run_scoped3A = tpu.sem_alloc : memref<!tpu.dma_semaphore, #tpu.memory_space<semaphore_mem>>
          %dma_start3A = arith.constant 0 : i32
          %dma_start3A_142 = tpu.memref_slice %arg7[%add3A_135, %dma_start3A] : memref<8x128xi32, #tpu.memory_space<vmem>> -> memref<1x128xi32, #tpu.memory_space<vmem>>
          %dma_start3A_143 = tpu.memref_squeeze %dma_start3A_142 : memref<1x128xi32, #tpu.memory_space<vmem>> -> memref<128xi32, #tpu.memory_space<vmem>>
          %dma_start3A_144 = arith.constant 0 : i32
          %dma_start3A_145 = arith.constant 0 : i32
          %dma_start3A_146 = tpu.memref_slice %arg12[%dma_start3A_144, %dma_start3A_145] : memref<10240x128xf32, #tpu.memory_space<vmem_shared>> -> memref<10240x128xf32, #tpu.memory_space<vmem_shared>>
          tpu.enqueue_indirect_dma source(%arg9 : memref<128x128xf32, #tpu.memory_space<vmem>>) target(%dma_start3A_146 : memref<10240x128xf32, #tpu.memory_space<vmem_shared>>) offsets(%dma_start3A_143 : memref<128xi32, #tpu.memory_space<vmem>>) semaphore(%run_scoped3A : memref<!tpu.dma_semaphore, #tpu.memory_space<semaphore_mem>>) {add = true}
          %dma_wait3A_147 = arith.constant 0 : i32
          %dma_wait3A_148 = tpu.memref_slice %arg7[%add3A_135, %dma_wait3A_147] : memref<8x128xi32, #tpu.memory_space<vmem>> -> memref<1x128xi32, #tpu.memory_space<vmem>>
          %dma_wait3A_149 = tpu.memref_squeeze %dma_wait3A_148 : memref<1x128xi32, #tpu.memory_space<vmem>> -> memref<128xi32, #tpu.memory_space<vmem>>
          %dma_wait3A_150 = arith.constant 0 : i32
          %dma_wait3A_151 = arith.constant 0 : i32
          %dma_wait3A_152 = tpu.memref_slice %arg12[%dma_wait3A_150, %dma_wait3A_151] : memref<10240x128xf32, #tpu.memory_space<vmem_shared>> -> memref<10240x128xf32, #tpu.memory_space<vmem_shared>>
          tpu.wait_indirect_dma semaphore(%run_scoped3A : memref<!tpu.dma_semaphore, #tpu.memory_space<semaphore_mem>>) src(%arg9 : memref<128x128xf32, #tpu.memory_space<vmem>>) dst(%dma_wait3A_152 : memref<10240x128xf32, #tpu.memory_space<vmem_shared>>)
          tpu.yield
        }) : () -> ()
        %add3A_136 = arith.constant 2 : i32
        %add3A_137 = arith.addi %add3A_97, %add3A_136 : i32
        %lt3A_138 = arith.cmpi slt, %add3A_137, %select_n3A : i32
        %convert_element_type3A_139 = arith.extui %lt3A_138 : i1 to i32
        %cond3A_140 = arith.constant 0 : i32
        %cond3A_141 = arith.cmpi ne, %convert_element_type3A_139, %cond3A_140 : i32
        scf.if %cond3A_141 {
          %not3A = arith.constant true
          %not3A_142 = arith.xori %eq3A_89, %not3A : i1
          %convert_element_type3A_143 = arith.extui %not3A_142 : i1 to i32
          %cond3A_144 = arith.constant 0 : i32
          %cond3A_145 = arith.cmpi ne, %convert_element_type3A_143, %cond3A_144 : i32
          scf.if %cond3A_145 {
            %add3A_149 = arith.constant 0 : i32
            %add3A_150 = arith.addi %rem3A_87, %add3A_149 : i32
            %add3A_151 = arith.constant 2 : i32
            %add3A_152 = arith.addi %add3A_150, %add3A_151 : i32
            %dma_start3A = arith.constant 0 : i32
            %dma_start3A_153 = tpu.memref_slice %arg5[%add3A_152, %dma_start3A] : memref<8x128xi32, #tpu.memory_space<vmem>> -> memref<1x128xi32, #tpu.memory_space<vmem>>
            %dma_start3A_154 = tpu.memref_squeeze %dma_start3A_153 : memref<1x128xi32, #tpu.memory_space<vmem>> -> memref<128xi32, #tpu.memory_space<vmem>>
            %dma_start3A_155 = arith.constant 0 : i32
            %dma_start3A_156 = arith.constant 0 : i32
            %dma_start3A_157 = tpu.memref_slice %arg2[%dma_start3A_155, %dma_start3A_156] : memref<10000x128xf32, #tpu.memory_space<hbm>> -> memref<10000x128xf32, #tpu.memory_space<hbm>>
            tpu.enqueue_indirect_dma source(%dma_start3A_157 : memref<10000x128xf32, #tpu.memory_space<hbm>>) target(%arg9 : memref<128x128xf32, #tpu.memory_space<vmem>>) offsets(%dma_start3A_154 : memref<128xi32, #tpu.memory_space<vmem>>) semaphore(%arg13 : memref<!tpu.dma_semaphore, #tpu.memory_space<semaphore_mem>>)
          } else {
          }
          %convert_element_type3A_146 = arith.extui %eq3A_89 : i1 to i32
          %cond3A_147 = arith.constant 0 : i32
          %cond3A_148 = arith.cmpi ne, %convert_element_type3A_146, %cond3A_147 : i32
          scf.if %cond3A_148 {
            %dma_start3A = arith.constant 0 : i32
            %dma_start3A_149 = arith.constant 0 : i32
            %dma_start3A_150 = tpu.memref_slice %arg6[%dma_start3A, %dma_start3A_149] : memref<8x128xi32, #tpu.memory_space<vmem>> -> memref<1x128xi32, #tpu.memory_space<vmem>>
            %dma_start3A_151 = tpu.memref_squeeze %dma_start3A_150 : memref<1x128xi32, #tpu.memory_space<vmem>> -> memref<128xi32, #tpu.memory_space<vmem>>
            %dma_start3A_152 = arith.constant 0 : i32
            %dma_start3A_153 = arith.constant 0 : i32
            %dma_start3A_154 = tpu.memref_slice %arg2[%dma_start3A_152, %dma_start3A_153] : memref<10000x128xf32, #tpu.memory_space<hbm>> -> memref<10000x128xf32, #tpu.memory_space<hbm>>
            tpu.enqueue_indirect_dma source(%dma_start3A_154 : memref<10000x128xf32, #tpu.memory_space<hbm>>) target(%arg9 : memref<128x128xf32, #tpu.memory_space<vmem>>) offsets(%dma_start3A_151 : memref<128xi32, #tpu.memory_space<vmem>>) semaphore(%arg13 : memref<!tpu.dma_semaphore, #tpu.memory_space<semaphore_mem>>)
          } else {
          }
        } else {
        }
      } else {
      }
      %eq3A_103 = arith.constant 1 : i32
      %eq3A_104 = arith.cmpi eq, %rem3A_85, %eq3A_103 : i32
      %convert_element_type3A_105 = arith.extui %eq3A_104 : i1 to i32
      %cond3A_106 = arith.constant 0 : i32
      %cond3A_107 = arith.cmpi ne, %convert_element_type3A_105, %cond3A_106 : i32
      scf.if %cond3A_107 {
        %add3A_127 = arith.constant 0 : i32
        %add3A_128 = arith.addi %rem3A_87, %add3A_127 : i32
        %dma_wait3A = arith.constant 0 : i32
        %dma_wait3A_129 = tpu.memref_slice %arg6[%add3A_128, %dma_wait3A] : memref<8x128xi32, #tpu.memory_space<vmem>> -> memref<1x128xi32, #tpu.memory_space<vmem>>
        %dma_wait3A_130 = tpu.memref_squeeze %dma_wait3A_129 : memref<1x128xi32, #tpu.memory_space<vmem>> -> memref<128xi32, #tpu.memory_space<vmem>>
        %dma_wait3A_131 = arith.constant 0 : i32
        %dma_wait3A_132 = arith.constant 0 : i32
        %dma_wait3A_133 = tpu.memref_slice %arg2[%dma_wait3A_131, %dma_wait3A_132] : memref<10000x128xf32, #tpu.memory_space<hbm>> -> memref<10000x128xf32, #tpu.memory_space<hbm>>
        tpu.wait_indirect_dma semaphore(%arg13 : memref<!tpu.dma_semaphore, #tpu.memory_space<semaphore_mem>>) src(%dma_wait3A_133 : memref<10000x128xf32, #tpu.memory_space<hbm>>) dst(%arg9 : memref<128x128xf32, #tpu.memory_space<vmem>>)
        %add3A_134 = arith.constant 0 : i32
        %add3A_135 = arith.addi %rem3A_87, %add3A_134 : i32
        "tpu.region"() ({
          %run_scoped3A = tpu.sem_alloc : memref<!tpu.dma_semaphore, #tpu.memory_space<semaphore_mem>>
          %dma_start3A = arith.constant 0 : i32
          %dma_start3A_142 = tpu.memref_slice %arg8[%add3A_135, %dma_start3A] : memref<8x128xi32, #tpu.memory_space<vmem>> -> memref<1x128xi32, #tpu.memory_space<vmem>>
          %dma_start3A_143 = tpu.memref_squeeze %dma_start3A_142 : memref<1x128xi32, #tpu.memory_space<vmem>> -> memref<128xi32, #tpu.memory_space<vmem>>
          %dma_start3A_144 = arith.constant 0 : i32
          %dma_start3A_145 = arith.constant 0 : i32
          %dma_start3A_146 = tpu.memref_slice %arg12[%dma_start3A_144, %dma_start3A_145] : memref<10240x128xf32, #tpu.memory_space<vmem_shared>> -> memref<10240x128xf32, #tpu.memory_space<vmem_shared>>
          tpu.enqueue_indirect_dma source(%arg9 : memref<128x128xf32, #tpu.memory_space<vmem>>) target(%dma_start3A_146 : memref<10240x128xf32, #tpu.memory_space<vmem_shared>>) offsets(%dma_start3A_143 : memref<128xi32, #tpu.memory_space<vmem>>) semaphore(%run_scoped3A : memref<!tpu.dma_semaphore, #tpu.memory_space<semaphore_mem>>) {add = true}
          %dma_wait3A_147 = arith.constant 0 : i32
          %dma_wait3A_148 = tpu.memref_slice %arg8[%add3A_135, %dma_wait3A_147] : memref<8x128xi32, #tpu.memory_space<vmem>> -> memref<1x128xi32, #tpu.memory_space<vmem>>
          %dma_wait3A_149 = tpu.memref_squeeze %dma_wait3A_148 : memref<1x128xi32, #tpu.memory_space<vmem>> -> memref<128xi32, #tpu.memory_space<vmem>>
          %dma_wait3A_150 = arith.constant 0 : i32
          %dma_wait3A_151 = arith.constant 0 : i32
          %dma_wait3A_152 = tpu.memref_slice %arg12[%dma_wait3A_150, %dma_wait3A_151] : memref<10240x128xf32, #tpu.memory_space<vmem_shared>> -> memref<10240x128xf32, #tpu.memory_space<vmem_shared>>
          tpu.wait_indirect_dma semaphore(%run_scoped3A : memref<!tpu.dma_semaphore, #tpu.memory_space<semaphore_mem>>) src(%arg9 : memref<128x128xf32, #tpu.memory_space<vmem>>) dst(%dma_wait3A_152 : memref<10240x128xf32, #tpu.memory_space<vmem_shared>>)
          tpu.yield
        }) : () -> ()
        %add3A_136 = arith.constant 2 : i32
        %add3A_137 = arith.addi %add3A_97, %add3A_136 : i32
        %lt3A_138 = arith.cmpi slt, %add3A_137, %select_n3A : i32
        %convert_element_type3A_139 = arith.extui %lt3A_138 : i1 to i32
        %cond3A_140 = arith.constant 0 : i32
        %cond3A_141 = arith.cmpi ne, %convert_element_type3A_139, %cond3A_140 : i32
        scf.if %cond3A_141 {
          %not3A = arith.constant true
          %not3A_142 = arith.xori %eq3A_89, %not3A : i1
          %convert_element_type3A_143 = arith.extui %not3A_142 : i1 to i32
          %cond3A_144 = arith.constant 0 : i32
          %cond3A_145 = arith.cmpi ne, %convert_element_type3A_143, %cond3A_144 : i32
          scf.if %cond3A_145 {
            %add3A_149 = arith.constant 0 : i32
            %add3A_150 = arith.addi %rem3A_87, %add3A_149 : i32
            %add3A_151 = arith.constant 2 : i32
            %add3A_152 = arith.addi %add3A_150, %add3A_151 : i32
            %dma_start3A = arith.constant 0 : i32
            %dma_start3A_153 = tpu.memref_slice %arg6[%add3A_152, %dma_start3A] : memref<8x128xi32, #tpu.memory_space<vmem>> -> memref<1x128xi32, #tpu.memory_space<vmem>>
            %dma_start3A_154 = tpu.memref_squeeze %dma_start3A_153 : memref<1x128xi32, #tpu.memory_space<vmem>> -> memref<128xi32, #tpu.memory_space<vmem>>
            %dma_start3A_155 = arith.constant 0 : i32
            %dma_start3A_156 = arith.constant 0 : i32
            %dma_start3A_157 = tpu.memref_slice %arg2[%dma_start3A_155, %dma_start3A_156] : memref<10000x128xf32, #tpu.memory_space<hbm>> -> memref<10000x128xf32, #tpu.memory_space<hbm>>
            tpu.enqueue_indirect_dma source(%dma_start3A_157 : memref<10000x128xf32, #tpu.memory_space<hbm>>) target(%arg9 : memref<128x128xf32, #tpu.memory_space<vmem>>) offsets(%dma_start3A_154 : memref<128xi32, #tpu.memory_space<vmem>>) semaphore(%arg13 : memref<!tpu.dma_semaphore, #tpu.memory_space<semaphore_mem>>)
          } else {
          }
          %convert_element_type3A_146 = arith.extui %eq3A_89 : i1 to i32
          %cond3A_147 = arith.constant 0 : i32
          %cond3A_148 = arith.cmpi ne, %convert_element_type3A_146, %cond3A_147 : i32
          scf.if %cond3A_148 {
            %dma_start3A = arith.constant 0 : i32
            %dma_start3A_149 = arith.constant 0 : i32
            %dma_start3A_150 = tpu.memref_slice %arg5[%dma_start3A, %dma_start3A_149] : memref<8x128xi32, #tpu.memory_space<vmem>> -> memref<1x128xi32, #tpu.memory_space<vmem>>
            %dma_start3A_151 = tpu.memref_squeeze %dma_start3A_150 : memref<1x128xi32, #tpu.memory_space<vmem>> -> memref<128xi32, #tpu.memory_space<vmem>>
            %dma_start3A_152 = arith.constant 0 : i32
            %dma_start3A_153 = arith.constant 0 : i32
            %dma_start3A_154 = tpu.memref_slice %arg2[%dma_start3A_152, %dma_start3A_153] : memref<10000x128xf32, #tpu.memory_space<hbm>> -> memref<10000x128xf32, #tpu.memory_space<hbm>>
            tpu.enqueue_indirect_dma source(%dma_start3A_154 : memref<10000x128xf32, #tpu.memory_space<hbm>>) target(%arg9 : memref<128x128xf32, #tpu.memory_space<vmem>>) offsets(%dma_start3A_151 : memref<128xi32, #tpu.memory_space<vmem>>) semaphore(%arg13 : memref<!tpu.dma_semaphore, #tpu.memory_space<semaphore_mem>>)
          } else {
          }
        } else {
        }
      } else {
      }
      %add3A_108 = arith.constant 1 : i32
      %add3A_109 = arith.addi %mul3A_81, %add3A_108 : i32
      %eq3A_110 = arith.constant 0 : i32
      %eq3A_111 = arith.cmpi eq, %rem3A_85, %eq3A_110 : i32
      %convert_element_type3A_112 = arith.extui %eq3A_111 : i1 to i32
      %cond3A_113 = arith.constant 0 : i32
      %cond3A_114 = arith.cmpi ne, %convert_element_type3A_112, %cond3A_113 : i32
      scf.if %cond3A_114 {
        %add3A_127 = arith.constant 1 : i32
        %add3A_128 = arith.addi %rem3A_87, %add3A_127 : i32
        %dma_wait3A = arith.constant 0 : i32
        %dma_wait3A_129 = tpu.memref_slice %arg5[%add3A_128, %dma_wait3A] : memref<8x128xi32, #tpu.memory_space<vmem>> -> memref<1x128xi32, #tpu.memory_space<vmem>>
        %dma_wait3A_130 = tpu.memref_squeeze %dma_wait3A_129 : memref<1x128xi32, #tpu.memory_space<vmem>> -> memref<128xi32, #tpu.memory_space<vmem>>
        %dma_wait3A_131 = arith.constant 0 : i32
        %dma_wait3A_132 = arith.constant 0 : i32
        %dma_wait3A_133 = tpu.memref_slice %arg2[%dma_wait3A_131, %dma_wait3A_132] : memref<10000x128xf32, #tpu.memory_space<hbm>> -> memref<10000x128xf32, #tpu.memory_space<hbm>>
        tpu.wait_indirect_dma semaphore(%arg14 : memref<!tpu.dma_semaphore, #tpu.memory_space<semaphore_mem>>) src(%dma_wait3A_133 : memref<10000x128xf32, #tpu.memory_space<hbm>>) dst(%arg10 : memref<128x128xf32, #tpu.memory_space<vmem>>)
        %add3A_134 = arith.constant 1 : i32
        %add3A_135 = arith.addi %rem3A_87, %add3A_134 : i32
        "tpu.region"() ({
          %run_scoped3A = tpu.sem_alloc : memref<!tpu.dma_semaphore, #tpu.memory_space<semaphore_mem>>
          %dma_start3A = arith.constant 0 : i32
          %dma_start3A_142 = tpu.memref_slice %arg7[%add3A_135, %dma_start3A] : memref<8x128xi32, #tpu.memory_space<vmem>> -> memref<1x128xi32, #tpu.memory_space<vmem>>
          %dma_start3A_143 = tpu.memref_squeeze %dma_start3A_142 : memref<1x128xi32, #tpu.memory_space<vmem>> -> memref<128xi32, #tpu.memory_space<vmem>>
          %dma_start3A_144 = arith.constant 0 : i32
          %dma_start3A_145 = arith.constant 0 : i32
          %dma_start3A_146 = tpu.memref_slice %arg12[%dma_start3A_144, %dma_start3A_145] : memref<10240x128xf32, #tpu.memory_space<vmem_shared>> -> memref<10240x128xf32, #tpu.memory_space<vmem_shared>>
          tpu.enqueue_indirect_dma source(%arg10 : memref<128x128xf32, #tpu.memory_space<vmem>>) target(%dma_start3A_146 : memref<10240x128xf32, #tpu.memory_space<vmem_shared>>) offsets(%dma_start3A_143 : memref<128xi32, #tpu.memory_space<vmem>>) semaphore(%run_scoped3A : memref<!tpu.dma_semaphore, #tpu.memory_space<semaphore_mem>>) {add = true}
          %dma_wait3A_147 = arith.constant 0 : i32
          %dma_wait3A_148 = tpu.memref_slice %arg7[%add3A_135, %dma_wait3A_147] : memref<8x128xi32, #tpu.memory_space<vmem>> -> memref<1x128xi32, #tpu.memory_space<vmem>>
          %dma_wait3A_149 = tpu.memref_squeeze %dma_wait3A_148 : memref<1x128xi32, #tpu.memory_space<vmem>> -> memref<128xi32, #tpu.memory_space<vmem>>
          %dma_wait3A_150 = arith.constant 0 : i32
          %dma_wait3A_151 = arith.constant 0 : i32
          %dma_wait3A_152 = tpu.memref_slice %arg12[%dma_wait3A_150, %dma_wait3A_151] : memref<10240x128xf32, #tpu.memory_space<vmem_shared>> -> memref<10240x128xf32, #tpu.memory_space<vmem_shared>>
          tpu.wait_indirect_dma semaphore(%run_scoped3A : memref<!tpu.dma_semaphore, #tpu.memory_space<semaphore_mem>>) src(%arg10 : memref<128x128xf32, #tpu.memory_space<vmem>>) dst(%dma_wait3A_152 : memref<10240x128xf32, #tpu.memory_space<vmem_shared>>)
          tpu.yield
        }) : () -> ()
        %add3A_136 = arith.constant 2 : i32
        %add3A_137 = arith.addi %add3A_109, %add3A_136 : i32
        %lt3A_138 = arith.cmpi slt, %add3A_137, %select_n3A : i32
        %convert_element_type3A_139 = arith.extui %lt3A_138 : i1 to i32
        %cond3A_140 = arith.constant 0 : i32
        %cond3A_141 = arith.cmpi ne, %convert_element_type3A_139, %cond3A_140 : i32
        scf.if %cond3A_141 {
          %not3A = arith.constant true
          %not3A_142 = arith.xori %eq3A_89, %not3A : i1
          %convert_element_type3A_143 = arith.extui %not3A_142 : i1 to i32
          %cond3A_144 = arith.constant 0 : i32
          %cond3A_145 = arith.cmpi ne, %convert_element_type3A_143, %cond3A_144 : i32
          scf.if %cond3A_145 {
            %add3A_149 = arith.constant 1 : i32
            %add3A_150 = arith.addi %rem3A_87, %add3A_149 : i32
            %add3A_151 = arith.constant 2 : i32
            %add3A_152 = arith.addi %add3A_150, %add3A_151 : i32
            %dma_start3A = arith.constant 0 : i32
            %dma_start3A_153 = tpu.memref_slice %arg5[%add3A_152, %dma_start3A] : memref<8x128xi32, #tpu.memory_space<vmem>> -> memref<1x128xi32, #tpu.memory_space<vmem>>
            %dma_start3A_154 = tpu.memref_squeeze %dma_start3A_153 : memref<1x128xi32, #tpu.memory_space<vmem>> -> memref<128xi32, #tpu.memory_space<vmem>>
            %dma_start3A_155 = arith.constant 0 : i32
            %dma_start3A_156 = arith.constant 0 : i32
            %dma_start3A_157 = tpu.memref_slice %arg2[%dma_start3A_155, %dma_start3A_156] : memref<10000x128xf32, #tpu.memory_space<hbm>> -> memref<10000x128xf32, #tpu.memory_space<hbm>>
            tpu.enqueue_indirect_dma source(%dma_start3A_157 : memref<10000x128xf32, #tpu.memory_space<hbm>>) target(%arg10 : memref<128x128xf32, #tpu.memory_space<vmem>>) offsets(%dma_start3A_154 : memref<128xi32, #tpu.memory_space<vmem>>) semaphore(%arg14 : memref<!tpu.dma_semaphore, #tpu.memory_space<semaphore_mem>>)
          } else {
          }
          %convert_element_type3A_146 = arith.extui %eq3A_89 : i1 to i32
          %cond3A_147 = arith.constant 0 : i32
          %cond3A_148 = arith.cmpi ne, %convert_element_type3A_146, %cond3A_147 : i32
          scf.if %cond3A_148 {
            %dma_start3A = arith.constant 1 : i32
            %dma_start3A_149 = arith.constant 0 : i32
            %dma_start3A_150 = tpu.memref_slice %arg6[%dma_start3A, %dma_start3A_149] : memref<8x128xi32, #tpu.memory_space<vmem>> -> memref<1x128xi32, #tpu.memory_space<vmem>>
            %dma_start3A_151 = tpu.memref_squeeze %dma_start3A_150 : memref<1x128xi32, #tpu.memory_space<vmem>> -> memref<128xi32, #tpu.memory_space<vmem>>
            %dma_start3A_152 = arith.constant 0 : i32
            %dma_start3A_153 = arith.constant 0 : i32
            %dma_start3A_154 = tpu.memref_slice %arg2[%dma_start3A_152, %dma_start3A_153] : memref<10000x128xf32, #tpu.memory_space<hbm>> -> memref<10000x128xf32, #tpu.memory_space<hbm>>
            tpu.enqueue_indirect_dma source(%dma_start3A_154 : memref<10000x128xf32, #tpu.memory_space<hbm>>) target(%arg10 : memref<128x128xf32, #tpu.memory_space<vmem>>) offsets(%dma_start3A_151 : memref<128xi32, #tpu.memory_space<vmem>>) semaphore(%arg14 : memref<!tpu.dma_semaphore, #tpu.memory_space<semaphore_mem>>)
          } else {
          }
        } else {
        }
      } else {
      }
      %eq3A_115 = arith.constant 1 : i32
      %eq3A_116 = arith.cmpi eq, %rem3A_85, %eq3A_115 : i32
      %convert_element_type3A_117 = arith.extui %eq3A_116 : i1 to i32
      %cond3A_118 = arith.constant 0 : i32
      %cond3A_119 = arith.cmpi ne, %convert_element_type3A_117, %cond3A_118 : i32
      scf.if %cond3A_119 {
        %add3A_127 = arith.constant 1 : i32
        %add3A_128 = arith.addi %rem3A_87, %add3A_127 : i32
        %dma_wait3A = arith.constant 0 : i32
        %dma_wait3A_129 = tpu.memref_slice %arg6[%add3A_128, %dma_wait3A] : memref<8x128xi32, #tpu.memory_space<vmem>> -> memref<1x128xi32, #tpu.memory_space<vmem>>
        %dma_wait3A_130 = tpu.memref_squeeze %dma_wait3A_129 : memref<1x128xi32, #tpu.memory_space<vmem>> -> memref<128xi32, #tpu.memory_space<vmem>>
        %dma_wait3A_131 = arith.constant 0 : i32
        %dma_wait3A_132 = arith.constant 0 : i32
        %dma_wait3A_133 = tpu.memref_slice %arg2[%dma_wait3A_131, %dma_wait3A_132] : memref<10000x128xf32, #tpu.memory_space<hbm>> -> memref<10000x128xf32, #tpu.memory_space<hbm>>
        tpu.wait_indirect_dma semaphore(%arg14 : memref<!tpu.dma_semaphore, #tpu.memory_space<semaphore_mem>>) src(%dma_wait3A_133 : memref<10000x128xf32, #tpu.memory_space<hbm>>) dst(%arg10 : memref<128x128xf32, #tpu.memory_space<vmem>>)
        %add3A_134 = arith.constant 1 : i32
        %add3A_135 = arith.addi %rem3A_87, %add3A_134 : i32
        "tpu.region"() ({
          %run_scoped3A = tpu.sem_alloc : memref<!tpu.dma_semaphore, #tpu.memory_space<semaphore_mem>>
          %dma_start3A = arith.constant 0 : i32
          %dma_start3A_142 = tpu.memref_slice %arg8[%add3A_135, %dma_start3A] : memref<8x128xi32, #tpu.memory_space<vmem>> -> memref<1x128xi32, #tpu.memory_space<vmem>>
          %dma_start3A_143 = tpu.memref_squeeze %dma_start3A_142 : memref<1x128xi32, #tpu.memory_space<vmem>> -> memref<128xi32, #tpu.memory_space<vmem>>
          %dma_start3A_144 = arith.constant 0 : i32
          %dma_start3A_145 = arith.constant 0 : i32
          %dma_start3A_146 = tpu.memref_slice %arg12[%dma_start3A_144, %dma_start3A_145] : memref<10240x128xf32, #tpu.memory_space<vmem_shared>> -> memref<10240x128xf32, #tpu.memory_space<vmem_shared>>
          tpu.enqueue_indirect_dma source(%arg10 : memref<128x128xf32, #tpu.memory_space<vmem>>) target(%dma_start3A_146 : memref<10240x128xf32, #tpu.memory_space<vmem_shared>>) offsets(%dma_start3A_143 : memref<128xi32, #tpu.memory_space<vmem>>) semaphore(%run_scoped3A : memref<!tpu.dma_semaphore, #tpu.memory_space<semaphore_mem>>) {add = true}
          %dma_wait3A_147 = arith.constant 0 : i32
          %dma_wait3A_148 = tpu.memref_slice %arg8[%add3A_135, %dma_wait3A_147] : memref<8x128xi32, #tpu.memory_space<vmem>> -> memref<1x128xi32, #tpu.memory_space<vmem>>
          %dma_wait3A_149 = tpu.memref_squeeze %dma_wait3A_148 : memref<1x128xi32, #tpu.memory_space<vmem>> -> memref<128xi32, #tpu.memory_space<vmem>>
          %dma_wait3A_150 = arith.constant 0 : i32
          %dma_wait3A_151 = arith.constant 0 : i32
          %dma_wait3A_152 = tpu.memref_slice %arg12[%dma_wait3A_150, %dma_wait3A_151] : memref<10240x128xf32, #tpu.memory_space<vmem_shared>> -> memref<10240x128xf32, #tpu.memory_space<vmem_shared>>
          tpu.wait_indirect_dma semaphore(%run_scoped3A : memref<!tpu.dma_semaphore, #tpu.memory_space<semaphore_mem>>) src(%arg10 : memref<128x128xf32, #tpu.memory_space<vmem>>) dst(%dma_wait3A_152 : memref<10240x128xf32, #tpu.memory_space<vmem_shared>>)
          tpu.yield
        }) : () -> ()
        %add3A_136 = arith.constant 2 : i32
        %add3A_137 = arith.addi %add3A_109, %add3A_136 : i32
        %lt3A_138 = arith.cmpi slt, %add3A_137, %select_n3A : i32
        %convert_element_type3A_139 = arith.extui %lt3A_138 : i1 to i32
        %cond3A_140 = arith.constant 0 : i32
        %cond3A_141 = arith.cmpi ne, %convert_element_type3A_139, %cond3A_140 : i32
        scf.if %cond3A_141 {
          %not3A = arith.constant true
          %not3A_142 = arith.xori %eq3A_89, %not3A : i1
          %convert_element_type3A_143 = arith.extui %not3A_142 : i1 to i32
          %cond3A_144 = arith.constant 0 : i32
          %cond3A_145 = arith.cmpi ne, %convert_element_type3A_143, %cond3A_144 : i32
          scf.if %cond3A_145 {
            %add3A_149 = arith.constant 1 : i32
            %add3A_150 = arith.addi %rem3A_87, %add3A_149 : i32
            %add3A_151 = arith.constant 2 : i32
            %add3A_152 = arith.addi %add3A_150, %add3A_151 : i32
            %dma_start3A = arith.constant 0 : i32
            %dma_start3A_153 = tpu.memref_slice %arg6[%add3A_152, %dma_start3A] : memref<8x128xi32, #tpu.memory_space<vmem>> -> memref<1x128xi32, #tpu.memory_space<vmem>>
            %dma_start3A_154 = tpu.memref_squeeze %dma_start3A_153 : memref<1x128xi32, #tpu.memory_space<vmem>> -> memref<128xi32, #tpu.memory_space<vmem>>
            %dma_start3A_155 = arith.constant 0 : i32
            %dma_start3A_156 = arith.constant 0 : i32
            %dma_start3A_157 = tpu.memref_slice %arg2[%dma_start3A_155, %dma_start3A_156] : memref<10000x128xf32, #tpu.memory_space<hbm>> -> memref<10000x128xf32, #tpu.memory_space<hbm>>
            tpu.enqueue_indirect_dma source(%dma_start3A_157 : memref<10000x128xf32, #tpu.memory_space<hbm>>) target(%arg10 : memref<128x128xf32, #tpu.memory_space<vmem>>) offsets(%dma_start3A_154 : memref<128xi32, #tpu.memory_space<vmem>>) semaphore(%arg14 : memref<!tpu.dma_semaphore, #tpu.memory_space<semaphore_mem>>)
          } else {
          }
          %convert_element_type3A_146 = arith.extui %eq3A_89 : i1 to i32
          %cond3A_147 = arith.constant 0 : i32
          %cond3A_148 = arith.cmpi ne, %convert_element_type3A_146, %cond3A_147 : i32
          scf.if %cond3A_148 {
            %dma_start3A = arith.constant 1 : i32
            %dma_start3A_149 = arith.constant 0 : i32
            %dma_start3A_150 = tpu.memref_slice %arg5[%dma_start3A, %dma_start3A_149] : memref<8x128xi32, #tpu.memory_space<vmem>> -> memref<1x128xi32, #tpu.memory_space<vmem>>
            %dma_start3A_151 = tpu.memref_squeeze %dma_start3A_150 : memref<1x128xi32, #tpu.memory_space<vmem>> -> memref<128xi32, #tpu.memory_space<vmem>>
            %dma_start3A_152 = arith.constant 0 : i32
            %dma_start3A_153 = arith.constant 0 : i32
            %dma_start3A_154 = tpu.memref_slice %arg2[%dma_start3A_152, %dma_start3A_153] : memref<10000x128xf32, #tpu.memory_space<hbm>> -> memref<10000x128xf32, #tpu.memory_space<hbm>>
            tpu.enqueue_indirect_dma source(%dma_start3A_154 : memref<10000x128xf32, #tpu.memory_space<hbm>>) target(%arg10 : memref<128x128xf32, #tpu.memory_space<vmem>>) offsets(%dma_start3A_151 : memref<128xi32, #tpu.memory_space<vmem>>) semaphore(%arg14 : memref<!tpu.dma_semaphore, #tpu.memory_space<semaphore_mem>>)
          } else {
          }
        } else {
        }
      } else {
      }
      %add3A_120 = arith.constant 2 : i32
      %add3A_121 = arith.addi %div3A_83, %add3A_120 : i32
      %lt3A_122 = arith.cmpi slt, %add3A_121, %select_n3A_19 : i32
      %and3A_123 = arith.andi %eq3A_89, %lt3A_122 : i1
      %convert_element_type3A_124 = arith.extui %and3A_123 : i1 to i32
      %cond3A_125 = arith.constant 0 : i32
      %cond3A_126 = arith.cmpi ne, %convert_element_type3A_124, %cond3A_125 : i32
      scf.if %cond3A_126 {
        %eq3A_127 = arith.constant 0 : i32
        %eq3A_128 = arith.cmpi eq, %rem3A_85, %eq3A_127 : i32
        %convert_element_type3A_129 = arith.extui %eq3A_128 : i1 to i32
        %cond3A_130 = arith.constant 0 : i32
        %cond3A_131 = arith.cmpi ne, %convert_element_type3A_129, %cond3A_130 : i32
        scf.if %cond3A_131 {
          %add3A_137 = arith.constant 2 : i32
          %add3A_138 = arith.addi %div3A_83, %add3A_137 : i32
          %mul3A_139 = arith.constant 8 : i32
          %mul3A_140 = arith.muli %add3A_138, %mul3A_139 : i32
          %add3A_141 = arith.addi %select_n3A_26, %mul3A_140 : i32
          %dma_start3A = arith.constant 0 : i32
          %dma_start3A_142 = arith.constant 0 : i32
          %dma_start3A_143 = arith.constant 0 : i32
          %dma_start3A_144 = tpu.memref_slice %arg3[%dma_start3A, %dma_start3A_142, %dma_start3A_143] : memref<2x2560x128xi32, #tpu.memory_space<hbm>> -> memref<1x2560x128xi32, #tpu.memory_space<hbm>>
          %dma_start3A_145 = tpu.memref_squeeze %dma_start3A_144 : memref<1x2560x128xi32, #tpu.memory_space<hbm>> -> memref<2560x128xi32, #tpu.memory_space<hbm>>
          %dma_start3A_146 = arith.constant 0 : i32
          %dma_start3A_147 = tpu.memref_slice %dma_start3A_145[%add3A_141, %dma_start3A_146] : memref<2560x128xi32, #tpu.memory_space<hbm>> -> memref<8x128xi32, #tpu.memory_space<hbm>>
          %dma_start3A_148 = arith.constant 0 : i32
          %dma_start3A_149 = arith.constant 0 : i32
          %dma_start3A_150 = tpu.memref_slice %arg3[%dma_start3A, %dma_start3A_148, %dma_start3A_149] : memref<2x2560x128xi32, #tpu.memory_space<hbm>> -> memref<1x2560x128xi32, #tpu.memory_space<hbm>>
          %dma_start3A_151 = tpu.memref_squeeze %dma_start3A_150 : memref<1x2560x128xi32, #tpu.memory_space<hbm>> -> memref<2560x128xi32, #tpu.memory_space<hbm>>
          %dma_start3A_152 = arith.constant 0 : i32
          %dma_start3A_153 = tpu.memref_slice %dma_start3A_151[%add3A_141, %dma_start3A_152] : memref<2560x128xi32, #tpu.memory_space<hbm>> -> memref<8x128xi32, #tpu.memory_space<hbm>>
          tpu.enqueue_dma source(%dma_start3A_153 : memref<8x128xi32, #tpu.memory_space<hbm>>) target(%arg5 : memref<8x128xi32, #tpu.memory_space<vmem>>) target_semaphore(%arg15 : memref<!tpu.dma_semaphore, #tpu.memory_space<semaphore_mem>>)
          %dma_start3A_154 = arith.constant 1 : i32
          %dma_start3A_155 = arith.constant 0 : i32
          %dma_start3A_156 = arith.constant 0 : i32
          %dma_start3A_157 = tpu.memref_slice %arg3[%dma_start3A_154, %dma_start3A_155, %dma_start3A_156] : memref<2x2560x128xi32, #tpu.memory_space<hbm>> -> memref<1x2560x128xi32, #tpu.memory_space<hbm>>
          %dma_start3A_158 = tpu.memref_squeeze %dma_start3A_157 : memref<1x2560x128xi32, #tpu.memory_space<hbm>> -> memref<2560x128xi32, #tpu.memory_space<hbm>>
          %dma_start3A_159 = arith.constant 0 : i32
          %dma_start3A_160 = tpu.memref_slice %dma_start3A_158[%add3A_141, %dma_start3A_159] : memref<2560x128xi32, #tpu.memory_space<hbm>> -> memref<8x128xi32, #tpu.memory_space<hbm>>
          %dma_start3A_161 = arith.constant 0 : i32
          %dma_start3A_162 = arith.constant 0 : i32
          %dma_start3A_163 = tpu.memref_slice %arg3[%dma_start3A_154, %dma_start3A_161, %dma_start3A_162] : memref<2x2560x128xi32, #tpu.memory_space<hbm>> -> memref<1x2560x128xi32, #tpu.memory_space<hbm>>
          %dma_start3A_164 = tpu.memref_squeeze %dma_start3A_163 : memref<1x2560x128xi32, #tpu.memory_space<hbm>> -> memref<2560x128xi32, #tpu.memory_space<hbm>>
          %dma_start3A_165 = arith.constant 0 : i32
          %dma_start3A_166 = tpu.memref_slice %dma_start3A_164[%add3A_141, %dma_start3A_165] : memref<2560x128xi32, #tpu.memory_space<hbm>> -> memref<8x128xi32, #tpu.memory_space<hbm>>
          tpu.enqueue_dma source(%dma_start3A_166 : memref<8x128xi32, #tpu.memory_space<hbm>>) target(%arg7 : memref<8x128xi32, #tpu.memory_space<vmem>>) target_semaphore(%arg15 : memref<!tpu.dma_semaphore, #tpu.memory_space<semaphore_mem>>)
        } else {
        }
        %eq3A_132 = arith.constant 1 : i32
        %eq3A_133 = arith.cmpi eq, %rem3A_85, %eq3A_132 : i32
        %convert_element_type3A_134 = arith.extui %eq3A_133 : i1 to i32
        %cond3A_135 = arith.constant 0 : i32
        %cond3A_136 = arith.cmpi ne, %convert_element_type3A_134, %cond3A_135 : i32
        scf.if %cond3A_136 {
          %add3A_137 = arith.constant 2 : i32
          %add3A_138 = arith.addi %div3A_83, %add3A_137 : i32
          %mul3A_139 = arith.constant 8 : i32
          %mul3A_140 = arith.muli %add3A_138, %mul3A_139 : i32
          %add3A_141 = arith.addi %select_n3A_26, %mul3A_140 : i32
          %dma_start3A = arith.constant 0 : i32
          %dma_start3A_142 = arith.constant 0 : i32
          %dma_start3A_143 = arith.constant 0 : i32
          %dma_start3A_144 = tpu.memref_slice %arg3[%dma_start3A, %dma_start3A_142, %dma_start3A_143] : memref<2x2560x128xi32, #tpu.memory_space<hbm>> -> memref<1x2560x128xi32, #tpu.memory_space<hbm>>
          %dma_start3A_145 = tpu.memref_squeeze %dma_start3A_144 : memref<1x2560x128xi32, #tpu.memory_space<hbm>> -> memref<2560x128xi32, #tpu.memory_space<hbm>>
          %dma_start3A_146 = arith.constant 0 : i32
          %dma_start3A_147 = tpu.memref_slice %dma_start3A_145[%add3A_141, %dma_start3A_146] : memref<2560x128xi32, #tpu.memory_space<hbm>> -> memref<8x128xi32, #tpu.memory_space<hbm>>
          %dma_start3A_148 = arith.constant 0 : i32
          %dma_start3A_149 = arith.constant 0 : i32
          %dma_start3A_150 = tpu.memref_slice %arg3[%dma_start3A, %dma_start3A_148, %dma_start3A_149] : memref<2x2560x128xi32, #tpu.memory_space<hbm>> -> memref<1x2560x128xi32, #tpu.memory_space<hbm>>
          %dma_start3A_151 = tpu.memref_squeeze %dma_start3A_150 : memref<1x2560x128xi32, #tpu.memory_space<hbm>> -> memref<2560x128xi32, #tpu.memory_space<hbm>>
          %dma_start3A_152 = arith.constant 0 : i32
          %dma_start3A_153 = tpu.memref_slice %dma_start3A_151[%add3A_141, %dma_start3A_152] : memref<2560x128xi32, #tpu.memory_space<hbm>> -> memref<8x128xi32, #tpu.memory_space<hbm>>
          tpu.enqueue_dma source(%dma_start3A_153 : memref<8x128xi32, #tpu.memory_space<hbm>>) target(%arg6 : memref<8x128xi32, #tpu.memory_space<vmem>>) target_semaphore(%arg16 : memref<!tpu.dma_semaphore, #tpu.memory_space<semaphore_mem>>)
          %dma_start3A_154 = arith.constant 1 : i32
          %dma_start3A_155 = arith.constant 0 : i32
          %dma_start3A_156 = arith.constant 0 : i32
          %dma_start3A_157 = tpu.memref_slice %arg3[%dma_start3A_154, %dma_start3A_155, %dma_start3A_156] : memref<2x2560x128xi32, #tpu.memory_space<hbm>> -> memref<1x2560x128xi32, #tpu.memory_space<hbm>>
          %dma_start3A_158 = tpu.memref_squeeze %dma_start3A_157 : memref<1x2560x128xi32, #tpu.memory_space<hbm>> -> memref<2560x128xi32, #tpu.memory_space<hbm>>
          %dma_start3A_159 = arith.constant 0 : i32
          %dma_start3A_160 = tpu.memref_slice %dma_start3A_158[%add3A_141, %dma_start3A_159] : memref<2560x128xi32, #tpu.memory_space<hbm>> -> memref<8x128xi32, #tpu.memory_space<hbm>>
          %dma_start3A_161 = arith.constant 0 : i32
          %dma_start3A_162 = arith.constant 0 : i32
          %dma_start3A_163 = tpu.memref_slice %arg3[%dma_start3A_154, %dma_start3A_161, %dma_start3A_162] : memref<2x2560x128xi32, #tpu.memory_space<hbm>> -> memref<1x2560x128xi32, #tpu.memory_space<hbm>>
          %dma_start3A_164 = tpu.memref_squeeze %dma_start3A_163 : memref<1x2560x128xi32, #tpu.memory_space<hbm>> -> memref<2560x128xi32, #tpu.memory_space<hbm>>
          %dma_start3A_165 = arith.constant 0 : i32
          %dma_start3A_166 = tpu.memref_slice %dma_start3A_164[%add3A_141, %dma_start3A_165] : memref<2560x128xi32, #tpu.memory_space<hbm>> -> memref<8x128xi32, #tpu.memory_space<hbm>>
          tpu.enqueue_dma source(%dma_start3A_166 : memref<8x128xi32, #tpu.memory_space<hbm>>) target(%arg8 : memref<8x128xi32, #tpu.memory_space<vmem>>) target_semaphore(%arg16 : memref<!tpu.dma_semaphore, #tpu.memory_space<semaphore_mem>>)
        } else {
        }
      } else {
      }
    }
    %while3A_73 = arith.constant 1 : i32
    scf.for %while3A_79 = %while3A_71 to %while3A_67 step %while3A_73  : i32 {
      %mul3A_80 = arith.constant 2 : i32
      %mul3A_81 = arith.muli %mul3A_80, %while3A_79 : i32
      %div3A_82 = arith.constant 8 : i32
      %div3A_83 = arith.divsi %mul3A_81, %div3A_82 : i32
      %rem3A_84 = arith.constant 2 : i32
      %rem3A_85 = arith.remsi %div3A_83, %rem3A_84 : i32
      %rem3A_86 = arith.constant 8 : i32
      %rem3A_87 = arith.remsi %mul3A_81, %rem3A_86 : i32
      %eq3A_88 = arith.constant 6 : i32
      %eq3A_89 = arith.cmpi eq, %rem3A_87, %eq3A_88 : i32
      %add3A_90 = arith.constant 1 : i32
      %add3A_91 = arith.addi %div3A_83, %add3A_90 : i32
      %lt3A = arith.cmpi slt, %add3A_91, %select_n3A_19 : i32
      %and3A_92 = arith.andi %eq3A_89, %lt3A : i1
      %convert_element_type3A_93 = arith.extui %and3A_92 : i1 to i32
      %cond3A_94 = arith.constant 0 : i32
      %cond3A_95 = arith.cmpi ne, %convert_element_type3A_93, %cond3A_94 : i32
      scf.if %cond3A_95 {
        %eq3A_127 = arith.constant 0 : i32
        %eq3A_128 = arith.cmpi eq, %rem3A_85, %eq3A_127 : i32
        %convert_element_type3A_129 = arith.extui %eq3A_128 : i1 to i32
        %cond3A_130 = arith.constant 0 : i32
        %cond3A_131 = arith.cmpi ne, %convert_element_type3A_129, %cond3A_130 : i32
        scf.if %cond3A_131 {
          %add3A_137 = arith.constant 1 : i32
          %add3A_138 = arith.addi %div3A_83, %add3A_137 : i32
          %mul3A_139 = arith.constant 8 : i32
          %mul3A_140 = arith.muli %add3A_138, %mul3A_139 : i32
          %add3A_141 = arith.addi %select_n3A_26, %mul3A_140 : i32
          %dma_wait3A = arith.constant 0 : i32
          %dma_wait3A_142 = arith.constant 0 : i32
          %dma_wait3A_143 = arith.constant 0 : i32
          %dma_wait3A_144 = tpu.memref_slice %arg3[%dma_wait3A, %dma_wait3A_142, %dma_wait3A_143] : memref<2x2560x128xi32, #tpu.memory_space<hbm>> -> memref<1x2560x128xi32, #tpu.memory_space<hbm>>
          %dma_wait3A_145 = tpu.memref_squeeze %dma_wait3A_144 : memref<1x2560x128xi32, #tpu.memory_space<hbm>> -> memref<2560x128xi32, #tpu.memory_space<hbm>>
          %dma_wait3A_146 = arith.constant 0 : i32
          %dma_wait3A_147 = tpu.memref_slice %dma_wait3A_145[%add3A_141, %dma_wait3A_146] : memref<2560x128xi32, #tpu.memory_space<hbm>> -> memref<8x128xi32, #tpu.memory_space<hbm>>
          %dma_wait3A_148 = arith.constant 0 : i32
          %dma_wait3A_149 = arith.constant 0 : i32
          %dma_wait3A_150 = tpu.memref_slice %arg3[%dma_wait3A, %dma_wait3A_148, %dma_wait3A_149] : memref<2x2560x128xi32, #tpu.memory_space<hbm>> -> memref<1x2560x128xi32, #tpu.memory_space<hbm>>
          %dma_wait3A_151 = tpu.memref_squeeze %dma_wait3A_150 : memref<1x2560x128xi32, #tpu.memory_space<hbm>> -> memref<2560x128xi32, #tpu.memory_space<hbm>>
          %dma_wait3A_152 = arith.constant 0 : i32
          %dma_wait3A_153 = tpu.memref_slice %dma_wait3A_151[%add3A_141, %dma_wait3A_152] : memref<2560x128xi32, #tpu.memory_space<hbm>> -> memref<8x128xi32, #tpu.memory_space<hbm>>
          tpu.wait_dma2 semaphore(%arg16 : memref<!tpu.dma_semaphore, #tpu.memory_space<semaphore_mem>>) src(%dma_wait3A_153 : memref<8x128xi32, #tpu.memory_space<hbm>>) dst(%arg6 : memref<8x128xi32, #tpu.memory_space<vmem>>)
          %dma_wait3A_154 = arith.constant 1 : i32
          %dma_wait3A_155 = arith.constant 0 : i32
          %dma_wait3A_156 = arith.constant 0 : i32
          %dma_wait3A_157 = tpu.memref_slice %arg3[%dma_wait3A_154, %dma_wait3A_155, %dma_wait3A_156] : memref<2x2560x128xi32, #tpu.memory_space<hbm>> -> memref<1x2560x128xi32, #tpu.memory_space<hbm>>
          %dma_wait3A_158 = tpu.memref_squeeze %dma_wait3A_157 : memref<1x2560x128xi32, #tpu.memory_space<hbm>> -> memref<2560x128xi32, #tpu.memory_space<hbm>>
          %dma_wait3A_159 = arith.constant 0 : i32
          %dma_wait3A_160 = tpu.memref_slice %dma_wait3A_158[%add3A_141, %dma_wait3A_159] : memref<2560x128xi32, #tpu.memory_space<hbm>> -> memref<8x128xi32, #tpu.memory_space<hbm>>
          %dma_wait3A_161 = arith.constant 0 : i32
          %dma_wait3A_162 = arith.constant 0 : i32
          %dma_wait3A_163 = tpu.memref_slice %arg3[%dma_wait3A_154, %dma_wait3A_161, %dma_wait3A_162] : memref<2x2560x128xi32, #tpu.memory_space<hbm>> -> memref<1x2560x128xi32, #tpu.memory_space<hbm>>
          %dma_wait3A_164 = tpu.memref_squeeze %dma_wait3A_163 : memref<1x2560x128xi32, #tpu.memory_space<hbm>> -> memref<2560x128xi32, #tpu.memory_space<hbm>>
          %dma_wait3A_165 = arith.constant 0 : i32
          %dma_wait3A_166 = tpu.memref_slice %dma_wait3A_164[%add3A_141, %dma_wait3A_165] : memref<2560x128xi32, #tpu.memory_space<hbm>> -> memref<8x128xi32, #tpu.memory_space<hbm>>
          tpu.wait_dma2 semaphore(%arg16 : memref<!tpu.dma_semaphore, #tpu.memory_space<semaphore_mem>>) src(%dma_wait3A_166 : memref<8x128xi32, #tpu.memory_space<hbm>>) dst(%arg8 : memref<8x128xi32, #tpu.memory_space<vmem>>)
        } else {
        }
        %eq3A_132 = arith.constant 1 : i32
        %eq3A_133 = arith.cmpi eq, %rem3A_85, %eq3A_132 : i32
        %convert_element_type3A_134 = arith.extui %eq3A_133 : i1 to i32
        %cond3A_135 = arith.constant 0 : i32
        %cond3A_136 = arith.cmpi ne, %convert_element_type3A_134, %cond3A_135 : i32
        scf.if %cond3A_136 {
          %add3A_137 = arith.constant 1 : i32
          %add3A_138 = arith.addi %div3A_83, %add3A_137 : i32
          %mul3A_139 = arith.constant 8 : i32
          %mul3A_140 = arith.muli %add3A_138, %mul3A_139 : i32
          %add3A_141 = arith.addi %select_n3A_26, %mul3A_140 : i32
          %dma_wait3A = arith.constant 0 : i32
          %dma_wait3A_142 = arith.constant 0 : i32
          %dma_wait3A_143 = arith.constant 0 : i32
          %dma_wait3A_144 = tpu.memref_slice %arg3[%dma_wait3A, %dma_wait3A_142, %dma_wait3A_143] : memref<2x2560x128xi32, #tpu.memory_space<hbm>> -> memref<1x2560x128xi32, #tpu.memory_space<hbm>>
          %dma_wait3A_145 = tpu.memref_squeeze %dma_wait3A_144 : memref<1x2560x128xi32, #tpu.memory_space<hbm>> -> memref<2560x128xi32, #tpu.memory_space<hbm>>
          %dma_wait3A_146 = arith.constant 0 : i32
          %dma_wait3A_147 = tpu.memref_slice %dma_wait3A_145[%add3A_141, %dma_wait3A_146] : memref<2560x128xi32, #tpu.memory_space<hbm>> -> memref<8x128xi32, #tpu.memory_space<hbm>>
          %dma_wait3A_148 = arith.constant 0 : i32
          %dma_wait3A_149 = arith.constant 0 : i32
          %dma_wait3A_150 = tpu.memref_slice %arg3[%dma_wait3A, %dma_wait3A_148, %dma_wait3A_149] : memref<2x2560x128xi32, #tpu.memory_space<hbm>> -> memref<1x2560x128xi32, #tpu.memory_space<hbm>>
          %dma_wait3A_151 = tpu.memref_squeeze %dma_wait3A_150 : memref<1x2560x128xi32, #tpu.memory_space<hbm>> -> memref<2560x128xi32, #tpu.memory_space<hbm>>
          %dma_wait3A_152 = arith.constant 0 : i32
          %dma_wait3A_153 = tpu.memref_slice %dma_wait3A_151[%add3A_141, %dma_wait3A_152] : memref<2560x128xi32, #tpu.memory_space<hbm>> -> memref<8x128xi32, #tpu.memory_space<hbm>>
          tpu.wait_dma2 semaphore(%arg15 : memref<!tpu.dma_semaphore, #tpu.memory_space<semaphore_mem>>) src(%dma_wait3A_153 : memref<8x128xi32, #tpu.memory_space<hbm>>) dst(%arg5 : memref<8x128xi32, #tpu.memory_space<vmem>>)
          %dma_wait3A_154 = arith.constant 1 : i32
          %dma_wait3A_155 = arith.constant 0 : i32
          %dma_wait3A_156 = arith.constant 0 : i32
          %dma_wait3A_157 = tpu.memref_slice %arg3[%dma_wait3A_154, %dma_wait3A_155, %dma_wait3A_156] : memref<2x2560x128xi32, #tpu.memory_space<hbm>> -> memref<1x2560x128xi32, #tpu.memory_space<hbm>>
          %dma_wait3A_158 = tpu.memref_squeeze %dma_wait3A_157 : memref<1x2560x128xi32, #tpu.memory_space<hbm>> -> memref<2560x128xi32, #tpu.memory_space<hbm>>
          %dma_wait3A_159 = arith.constant 0 : i32
          %dma_wait3A_160 = tpu.memref_slice %dma_wait3A_158[%add3A_141, %dma_wait3A_159] : memref<2560x128xi32, #tpu.memory_space<hbm>> -> memref<8x128xi32, #tpu.memory_space<hbm>>
          %dma_wait3A_161 = arith.constant 0 : i32
          %dma_wait3A_162 = arith.constant 0 : i32
          %dma_wait3A_163 = tpu.memref_slice %arg3[%dma_wait3A_154, %dma_wait3A_161, %dma_wait3A_162] : memref<2x2560x128xi32, #tpu.memory_space<hbm>> -> memref<1x2560x128xi32, #tpu.memory_space<hbm>>
          %dma_wait3A_164 = tpu.memref_squeeze %dma_wait3A_163 : memref<1x2560x128xi32, #tpu.memory_space<hbm>> -> memref<2560x128xi32, #tpu.memory_space<hbm>>
          %dma_wait3A_165 = arith.constant 0 : i32
          %dma_wait3A_166 = tpu.memref_slice %dma_wait3A_164[%add3A_141, %dma_wait3A_165] : memref<2560x128xi32, #tpu.memory_space<hbm>> -> memref<8x128xi32, #tpu.memory_space<hbm>>
          tpu.wait_dma2 semaphore(%arg15 : memref<!tpu.dma_semaphore, #tpu.memory_space<semaphore_mem>>) src(%dma_wait3A_166 : memref<8x128xi32, #tpu.memory_space<hbm>>) dst(%arg7 : memref<8x128xi32, #tpu.memory_space<vmem>>)
        } else {
        }
      } else {
      }
      %add3A_96 = arith.constant 0 : i32
      %add3A_97 = arith.addi %mul3A_81, %add3A_96 : i32
      %eq3A_98 = arith.constant 0 : i32
      %eq3A_99 = arith.cmpi eq, %rem3A_85, %eq3A_98 : i32
      %convert_element_type3A_100 = arith.extui %eq3A_99 : i1 to i32
      %cond3A_101 = arith.constant 0 : i32
      %cond3A_102 = arith.cmpi ne, %convert_element_type3A_100, %cond3A_101 : i32
      scf.if %cond3A_102 {
        %add3A_127 = arith.constant 0 : i32
        %add3A_128 = arith.addi %rem3A_87, %add3A_127 : i32
        %dma_wait3A = arith.constant 0 : i32
        %dma_wait3A_129 = tpu.memref_slice %arg5[%add3A_128, %dma_wait3A] : memref<8x128xi32, #tpu.memory_space<vmem>> -> memref<1x128xi32, #tpu.memory_space<vmem>>
        %dma_wait3A_130 = tpu.memref_squeeze %dma_wait3A_129 : memref<1x128xi32, #tpu.memory_space<vmem>> -> memref<128xi32, #tpu.memory_space<vmem>>
        %dma_wait3A_131 = arith.constant 0 : i32
        %dma_wait3A_132 = arith.constant 0 : i32
        %dma_wait3A_133 = tpu.memref_slice %arg2[%dma_wait3A_131, %dma_wait3A_132] : memref<10000x128xf32, #tpu.memory_space<hbm>> -> memref<10000x128xf32, #tpu.memory_space<hbm>>
        tpu.wait_indirect_dma semaphore(%arg13 : memref<!tpu.dma_semaphore, #tpu.memory_space<semaphore_mem>>) src(%dma_wait3A_133 : memref<10000x128xf32, #tpu.memory_space<hbm>>) dst(%arg9 : memref<128x128xf32, #tpu.memory_space<vmem>>)
        %add3A_134 = arith.constant 0 : i32
        %add3A_135 = arith.addi %rem3A_87, %add3A_134 : i32
        "tpu.region"() ({
          %run_scoped3A = tpu.sem_alloc : memref<!tpu.dma_semaphore, #tpu.memory_space<semaphore_mem>>
          %dma_start3A = arith.constant 0 : i32
          %dma_start3A_142 = tpu.memref_slice %arg7[%add3A_135, %dma_start3A] : memref<8x128xi32, #tpu.memory_space<vmem>> -> memref<1x128xi32, #tpu.memory_space<vmem>>
          %dma_start3A_143 = tpu.memref_squeeze %dma_start3A_142 : memref<1x128xi32, #tpu.memory_space<vmem>> -> memref<128xi32, #tpu.memory_space<vmem>>
          %dma_start3A_144 = arith.constant 0 : i32
          %dma_start3A_145 = arith.constant 0 : i32
          %dma_start3A_146 = tpu.memref_slice %arg12[%dma_start3A_144, %dma_start3A_145] : memref<10240x128xf32, #tpu.memory_space<vmem_shared>> -> memref<10240x128xf32, #tpu.memory_space<vmem_shared>>
          tpu.enqueue_indirect_dma source(%arg9 : memref<128x128xf32, #tpu.memory_space<vmem>>) target(%dma_start3A_146 : memref<10240x128xf32, #tpu.memory_space<vmem_shared>>) offsets(%dma_start3A_143 : memref<128xi32, #tpu.memory_space<vmem>>) semaphore(%run_scoped3A : memref<!tpu.dma_semaphore, #tpu.memory_space<semaphore_mem>>) {add = true}
          %dma_wait3A_147 = arith.constant 0 : i32
          %dma_wait3A_148 = tpu.memref_slice %arg7[%add3A_135, %dma_wait3A_147] : memref<8x128xi32, #tpu.memory_space<vmem>> -> memref<1x128xi32, #tpu.memory_space<vmem>>
          %dma_wait3A_149 = tpu.memref_squeeze %dma_wait3A_148 : memref<1x128xi32, #tpu.memory_space<vmem>> -> memref<128xi32, #tpu.memory_space<vmem>>
          %dma_wait3A_150 = arith.constant 0 : i32
          %dma_wait3A_151 = arith.constant 0 : i32
          %dma_wait3A_152 = tpu.memref_slice %arg12[%dma_wait3A_150, %dma_wait3A_151] : memref<10240x128xf32, #tpu.memory_space<vmem_shared>> -> memref<10240x128xf32, #tpu.memory_space<vmem_shared>>
          tpu.wait_indirect_dma semaphore(%run_scoped3A : memref<!tpu.dma_semaphore, #tpu.memory_space<semaphore_mem>>) src(%arg9 : memref<128x128xf32, #tpu.memory_space<vmem>>) dst(%dma_wait3A_152 : memref<10240x128xf32, #tpu.memory_space<vmem_shared>>)
          tpu.yield
        }) : () -> ()
        %add3A_136 = arith.constant 2 : i32
        %add3A_137 = arith.addi %add3A_97, %add3A_136 : i32
        %lt3A_138 = arith.cmpi slt, %add3A_137, %select_n3A : i32
        %convert_element_type3A_139 = arith.extui %lt3A_138 : i1 to i32
        %cond3A_140 = arith.constant 0 : i32
        %cond3A_141 = arith.cmpi ne, %convert_element_type3A_139, %cond3A_140 : i32
        scf.if %cond3A_141 {
          %not3A = arith.constant true
          %not3A_142 = arith.xori %eq3A_89, %not3A : i1
          %convert_element_type3A_143 = arith.extui %not3A_142 : i1 to i32
          %cond3A_144 = arith.constant 0 : i32
          %cond3A_145 = arith.cmpi ne, %convert_element_type3A_143, %cond3A_144 : i32
          scf.if %cond3A_145 {
            %add3A_149 = arith.constant 0 : i32
            %add3A_150 = arith.addi %rem3A_87, %add3A_149 : i32
            %add3A_151 = arith.constant 2 : i32
            %add3A_152 = arith.addi %add3A_150, %add3A_151 : i32
            %dma_start3A = arith.constant 0 : i32
            %dma_start3A_153 = tpu.memref_slice %arg5[%add3A_152, %dma_start3A] : memref<8x128xi32, #tpu.memory_space<vmem>> -> memref<1x128xi32, #tpu.memory_space<vmem>>
            %dma_start3A_154 = tpu.memref_squeeze %dma_start3A_153 : memref<1x128xi32, #tpu.memory_space<vmem>> -> memref<128xi32, #tpu.memory_space<vmem>>
            %dma_start3A_155 = arith.constant 0 : i32
            %dma_start3A_156 = arith.constant 0 : i32
            %dma_start3A_157 = tpu.memref_slice %arg2[%dma_start3A_155, %dma_start3A_156] : memref<10000x128xf32, #tpu.memory_space<hbm>> -> memref<10000x128xf32, #tpu.memory_space<hbm>>
            tpu.enqueue_indirect_dma source(%dma_start3A_157 : memref<10000x128xf32, #tpu.memory_space<hbm>>) target(%arg9 : memref<128x128xf32, #tpu.memory_space<vmem>>) offsets(%dma_start3A_154 : memref<128xi32, #tpu.memory_space<vmem>>) semaphore(%arg13 : memref<!tpu.dma_semaphore, #tpu.memory_space<semaphore_mem>>)
          } else {
          }
          %convert_element_type3A_146 = arith.extui %eq3A_89 : i1 to i32
          %cond3A_147 = arith.constant 0 : i32
          %cond3A_148 = arith.cmpi ne, %convert_element_type3A_146, %cond3A_147 : i32
          scf.if %cond3A_148 {
            %dma_start3A = arith.constant 0 : i32
            %dma_start3A_149 = arith.constant 0 : i32
            %dma_start3A_150 = tpu.memref_slice %arg6[%dma_start3A, %dma_start3A_149] : memref<8x128xi32, #tpu.memory_space<vmem>> -> memref<1x128xi32, #tpu.memory_space<vmem>>
            %dma_start3A_151 = tpu.memref_squeeze %dma_start3A_150 : memref<1x128xi32, #tpu.memory_space<vmem>> -> memref<128xi32, #tpu.memory_space<vmem>>
            %dma_start3A_152 = arith.constant 0 : i32
            %dma_start3A_153 = arith.constant 0 : i32
            %dma_start3A_154 = tpu.memref_slice %arg2[%dma_start3A_152, %dma_start3A_153] : memref<10000x128xf32, #tpu.memory_space<hbm>> -> memref<10000x128xf32, #tpu.memory_space<hbm>>
            tpu.enqueue_indirect_dma source(%dma_start3A_154 : memref<10000x128xf32, #tpu.memory_space<hbm>>) target(%arg9 : memref<128x128xf32, #tpu.memory_space<vmem>>) offsets(%dma_start3A_151 : memref<128xi32, #tpu.memory_space<vmem>>) semaphore(%arg13 : memref<!tpu.dma_semaphore, #tpu.memory_space<semaphore_mem>>)
          } else {
          }
        } else {
        }
      } else {
      }
      %eq3A_103 = arith.constant 1 : i32
      %eq3A_104 = arith.cmpi eq, %rem3A_85, %eq3A_103 : i32
      %convert_element_type3A_105 = arith.extui %eq3A_104 : i1 to i32
      %cond3A_106 = arith.constant 0 : i32
      %cond3A_107 = arith.cmpi ne, %convert_element_type3A_105, %cond3A_106 : i32
      scf.if %cond3A_107 {
        %add3A_127 = arith.constant 0 : i32
        %add3A_128 = arith.addi %rem3A_87, %add3A_127 : i32
        %dma_wait3A = arith.constant 0 : i32
        %dma_wait3A_129 = tpu.memref_slice %arg6[%add3A_128, %dma_wait3A] : memref<8x128xi32, #tpu.memory_space<vmem>> -> memref<1x128xi32, #tpu.memory_space<vmem>>
        %dma_wait3A_130 = tpu.memref_squeeze %dma_wait3A_129 : memref<1x128xi32, #tpu.memory_space<vmem>> -> memref<128xi32, #tpu.memory_space<vmem>>
        %dma_wait3A_131 = arith.constant 0 : i32
        %dma_wait3A_132 = arith.constant 0 : i32
        %dma_wait3A_133 = tpu.memref_slice %arg2[%dma_wait3A_131, %dma_wait3A_132] : memref<10000x128xf32, #tpu.memory_space<hbm>> -> memref<10000x128xf32, #tpu.memory_space<hbm>>
        tpu.wait_indirect_dma semaphore(%arg13 : memref<!tpu.dma_semaphore, #tpu.memory_space<semaphore_mem>>) src(%dma_wait3A_133 : memref<10000x128xf32, #tpu.memory_space<hbm>>) dst(%arg9 : memref<128x128xf32, #tpu.memory_space<vmem>>)
        %add3A_134 = arith.constant 0 : i32
        %add3A_135 = arith.addi %rem3A_87, %add3A_134 : i32
        "tpu.region"() ({
          %run_scoped3A = tpu.sem_alloc : memref<!tpu.dma_semaphore, #tpu.memory_space<semaphore_mem>>
          %dma_start3A = arith.constant 0 : i32
          %dma_start3A_142 = tpu.memref_slice %arg8[%add3A_135, %dma_start3A] : memref<8x128xi32, #tpu.memory_space<vmem>> -> memref<1x128xi32, #tpu.memory_space<vmem>>
          %dma_start3A_143 = tpu.memref_squeeze %dma_start3A_142 : memref<1x128xi32, #tpu.memory_space<vmem>> -> memref<128xi32, #tpu.memory_space<vmem>>
          %dma_start3A_144 = arith.constant 0 : i32
          %dma_start3A_145 = arith.constant 0 : i32
          %dma_start3A_146 = tpu.memref_slice %arg12[%dma_start3A_144, %dma_start3A_145] : memref<10240x128xf32, #tpu.memory_space<vmem_shared>> -> memref<10240x128xf32, #tpu.memory_space<vmem_shared>>
          tpu.enqueue_indirect_dma source(%arg9 : memref<128x128xf32, #tpu.memory_space<vmem>>) target(%dma_start3A_146 : memref<10240x128xf32, #tpu.memory_space<vmem_shared>>) offsets(%dma_start3A_143 : memref<128xi32, #tpu.memory_space<vmem>>) semaphore(%run_scoped3A : memref<!tpu.dma_semaphore, #tpu.memory_space<semaphore_mem>>) {add = true}
          %dma_wait3A_147 = arith.constant 0 : i32
          %dma_wait3A_148 = tpu.memref_slice %arg8[%add3A_135, %dma_wait3A_147] : memref<8x128xi32, #tpu.memory_space<vmem>> -> memref<1x128xi32, #tpu.memory_space<vmem>>
          %dma_wait3A_149 = tpu.memref_squeeze %dma_wait3A_148 : memref<1x128xi32, #tpu.memory_space<vmem>> -> memref<128xi32, #tpu.memory_space<vmem>>
          %dma_wait3A_150 = arith.constant 0 : i32
          %dma_wait3A_151 = arith.constant 0 : i32
          %dma_wait3A_152 = tpu.memref_slice %arg12[%dma_wait3A_150, %dma_wait3A_151] : memref<10240x128xf32, #tpu.memory_space<vmem_shared>> -> memref<10240x128xf32, #tpu.memory_space<vmem_shared>>
          tpu.wait_indirect_dma semaphore(%run_scoped3A : memref<!tpu.dma_semaphore, #tpu.memory_space<semaphore_mem>>) src(%arg9 : memref<128x128xf32, #tpu.memory_space<vmem>>) dst(%dma_wait3A_152 : memref<10240x128xf32, #tpu.memory_space<vmem_shared>>)
          tpu.yield
        }) : () -> ()
        %add3A_136 = arith.constant 2 : i32
        %add3A_137 = arith.addi %add3A_97, %add3A_136 : i32
        %lt3A_138 = arith.cmpi slt, %add3A_137, %select_n3A : i32
        %convert_element_type3A_139 = arith.extui %lt3A_138 : i1 to i32
        %cond3A_140 = arith.constant 0 : i32
        %cond3A_141 = arith.cmpi ne, %convert_element_type3A_139, %cond3A_140 : i32
        scf.if %cond3A_141 {
          %not3A = arith.constant true
          %not3A_142 = arith.xori %eq3A_89, %not3A : i1
          %convert_element_type3A_143 = arith.extui %not3A_142 : i1 to i32
          %cond3A_144 = arith.constant 0 : i32
          %cond3A_145 = arith.cmpi ne, %convert_element_type3A_143, %cond3A_144 : i32
          scf.if %cond3A_145 {
            %add3A_149 = arith.constant 0 : i32
            %add3A_150 = arith.addi %rem3A_87, %add3A_149 : i32
            %add3A_151 = arith.constant 2 : i32
            %add3A_152 = arith.addi %add3A_150, %add3A_151 : i32
            %dma_start3A = arith.constant 0 : i32
            %dma_start3A_153 = tpu.memref_slice %arg6[%add3A_152, %dma_start3A] : memref<8x128xi32, #tpu.memory_space<vmem>> -> memref<1x128xi32, #tpu.memory_space<vmem>>
            %dma_start3A_154 = tpu.memref_squeeze %dma_start3A_153 : memref<1x128xi32, #tpu.memory_space<vmem>> -> memref<128xi32, #tpu.memory_space<vmem>>
            %dma_start3A_155 = arith.constant 0 : i32
            %dma_start3A_156 = arith.constant 0 : i32
            %dma_start3A_157 = tpu.memref_slice %arg2[%dma_start3A_155, %dma_start3A_156] : memref<10000x128xf32, #tpu.memory_space<hbm>> -> memref<10000x128xf32, #tpu.memory_space<hbm>>
            tpu.enqueue_indirect_dma source(%dma_start3A_157 : memref<10000x128xf32, #tpu.memory_space<hbm>>) target(%arg9 : memref<128x128xf32, #tpu.memory_space<vmem>>) offsets(%dma_start3A_154 : memref<128xi32, #tpu.memory_space<vmem>>) semaphore(%arg13 : memref<!tpu.dma_semaphore, #tpu.memory_space<semaphore_mem>>)
          } else {
          }
          %convert_element_type3A_146 = arith.extui %eq3A_89 : i1 to i32
          %cond3A_147 = arith.constant 0 : i32
          %cond3A_148 = arith.cmpi ne, %convert_element_type3A_146, %cond3A_147 : i32
          scf.if %cond3A_148 {
            %dma_start3A = arith.constant 0 : i32
            %dma_start3A_149 = arith.constant 0 : i32
            %dma_start3A_150 = tpu.memref_slice %arg5[%dma_start3A, %dma_start3A_149] : memref<8x128xi32, #tpu.memory_space<vmem>> -> memref<1x128xi32, #tpu.memory_space<vmem>>
            %dma_start3A_151 = tpu.memref_squeeze %dma_start3A_150 : memref<1x128xi32, #tpu.memory_space<vmem>> -> memref<128xi32, #tpu.memory_space<vmem>>
            %dma_start3A_152 = arith.constant 0 : i32
            %dma_start3A_153 = arith.constant 0 : i32
            %dma_start3A_154 = tpu.memref_slice %arg2[%dma_start3A_152, %dma_start3A_153] : memref<10000x128xf32, #tpu.memory_space<hbm>> -> memref<10000x128xf32, #tpu.memory_space<hbm>>
            tpu.enqueue_indirect_dma source(%dma_start3A_154 : memref<10000x128xf32, #tpu.memory_space<hbm>>) target(%arg9 : memref<128x128xf32, #tpu.memory_space<vmem>>) offsets(%dma_start3A_151 : memref<128xi32, #tpu.memory_space<vmem>>) semaphore(%arg13 : memref<!tpu.dma_semaphore, #tpu.memory_space<semaphore_mem>>)
          } else {
          }
        } else {
        }
      } else {
      }
      %add3A_108 = arith.constant 1 : i32
      %add3A_109 = arith.addi %mul3A_81, %add3A_108 : i32
      %eq3A_110 = arith.constant 0 : i32
      %eq3A_111 = arith.cmpi eq, %rem3A_85, %eq3A_110 : i32
      %convert_element_type3A_112 = arith.extui %eq3A_111 : i1 to i32
      %cond3A_113 = arith.constant 0 : i32
      %cond3A_114 = arith.cmpi ne, %convert_element_type3A_112, %cond3A_113 : i32
      scf.if %cond3A_114 {
        %add3A_127 = arith.constant 1 : i32
        %add3A_128 = arith.addi %rem3A_87, %add3A_127 : i32
        %dma_wait3A = arith.constant 0 : i32
        %dma_wait3A_129 = tpu.memref_slice %arg5[%add3A_128, %dma_wait3A] : memref<8x128xi32, #tpu.memory_space<vmem>> -> memref<1x128xi32, #tpu.memory_space<vmem>>
        %dma_wait3A_130 = tpu.memref_squeeze %dma_wait3A_129 : memref<1x128xi32, #tpu.memory_space<vmem>> -> memref<128xi32, #tpu.memory_space<vmem>>
        %dma_wait3A_131 = arith.constant 0 : i32
        %dma_wait3A_132 = arith.constant 0 : i32
        %dma_wait3A_133 = tpu.memref_slice %arg2[%dma_wait3A_131, %dma_wait3A_132] : memref<10000x128xf32, #tpu.memory_space<hbm>> -> memref<10000x128xf32, #tpu.memory_space<hbm>>
        tpu.wait_indirect_dma semaphore(%arg14 : memref<!tpu.dma_semaphore, #tpu.memory_space<semaphore_mem>>) src(%dma_wait3A_133 : memref<10000x128xf32, #tpu.memory_space<hbm>>) dst(%arg10 : memref<128x128xf32, #tpu.memory_space<vmem>>)
        %add3A_134 = arith.constant 1 : i32
        %add3A_135 = arith.addi %rem3A_87, %add3A_134 : i32
        "tpu.region"() ({
          %run_scoped3A = tpu.sem_alloc : memref<!tpu.dma_semaphore, #tpu.memory_space<semaphore_mem>>
          %dma_start3A = arith.constant 0 : i32
          %dma_start3A_142 = tpu.memref_slice %arg7[%add3A_135, %dma_start3A] : memref<8x128xi32, #tpu.memory_space<vmem>> -> memref<1x128xi32, #tpu.memory_space<vmem>>
          %dma_start3A_143 = tpu.memref_squeeze %dma_start3A_142 : memref<1x128xi32, #tpu.memory_space<vmem>> -> memref<128xi32, #tpu.memory_space<vmem>>
          %dma_start3A_144 = arith.constant 0 : i32
          %dma_start3A_145 = arith.constant 0 : i32
          %dma_start3A_146 = tpu.memref_slice %arg12[%dma_start3A_144, %dma_start3A_145] : memref<10240x128xf32, #tpu.memory_space<vmem_shared>> -> memref<10240x128xf32, #tpu.memory_space<vmem_shared>>
          tpu.enqueue_indirect_dma source(%arg10 : memref<128x128xf32, #tpu.memory_space<vmem>>) target(%dma_start3A_146 : memref<10240x128xf32, #tpu.memory_space<vmem_shared>>) offsets(%dma_start3A_143 : memref<128xi32, #tpu.memory_space<vmem>>) semaphore(%run_scoped3A : memref<!tpu.dma_semaphore, #tpu.memory_space<semaphore_mem>>) {add = true}
          %dma_wait3A_147 = arith.constant 0 : i32
          %dma_wait3A_148 = tpu.memref_slice %arg7[%add3A_135, %dma_wait3A_147] : memref<8x128xi32, #tpu.memory_space<vmem>> -> memref<1x128xi32, #tpu.memory_space<vmem>>
          %dma_wait3A_149 = tpu.memref_squeeze %dma_wait3A_148 : memref<1x128xi32, #tpu.memory_space<vmem>> -> memref<128xi32, #tpu.memory_space<vmem>>
          %dma_wait3A_150 = arith.constant 0 : i32
          %dma_wait3A_151 = arith.constant 0 : i32
          %dma_wait3A_152 = tpu.memref_slice %arg12[%dma_wait3A_150, %dma_wait3A_151] : memref<10240x128xf32, #tpu.memory_space<vmem_shared>> -> memref<10240x128xf32, #tpu.memory_space<vmem_shared>>
          tpu.wait_indirect_dma semaphore(%run_scoped3A : memref<!tpu.dma_semaphore, #tpu.memory_space<semaphore_mem>>) src(%arg10 : memref<128x128xf32, #tpu.memory_space<vmem>>) dst(%dma_wait3A_152 : memref<10240x128xf32, #tpu.memory_space<vmem_shared>>)
          tpu.yield
        }) : () -> ()
        %add3A_136 = arith.constant 2 : i32
        %add3A_137 = arith.addi %add3A_109, %add3A_136 : i32
        %lt3A_138 = arith.cmpi slt, %add3A_137, %select_n3A : i32
        %convert_element_type3A_139 = arith.extui %lt3A_138 : i1 to i32
        %cond3A_140 = arith.constant 0 : i32
        %cond3A_141 = arith.cmpi ne, %convert_element_type3A_139, %cond3A_140 : i32
        scf.if %cond3A_141 {
          %not3A = arith.constant true
          %not3A_142 = arith.xori %eq3A_89, %not3A : i1
          %convert_element_type3A_143 = arith.extui %not3A_142 : i1 to i32
          %cond3A_144 = arith.constant 0 : i32
          %cond3A_145 = arith.cmpi ne, %convert_element_type3A_143, %cond3A_144 : i32
          scf.if %cond3A_145 {
            %add3A_149 = arith.constant 1 : i32
            %add3A_150 = arith.addi %rem3A_87, %add3A_149 : i32
            %add3A_151 = arith.constant 2 : i32
            %add3A_152 = arith.addi %add3A_150, %add3A_151 : i32
            %dma_start3A = arith.constant 0 : i32
            %dma_start3A_153 = tpu.memref_slice %arg5[%add3A_152, %dma_start3A] : memref<8x128xi32, #tpu.memory_space<vmem>> -> memref<1x128xi32, #tpu.memory_space<vmem>>
            %dma_start3A_154 = tpu.memref_squeeze %dma_start3A_153 : memref<1x128xi32, #tpu.memory_space<vmem>> -> memref<128xi32, #tpu.memory_space<vmem>>
            %dma_start3A_155 = arith.constant 0 : i32
            %dma_start3A_156 = arith.constant 0 : i32
            %dma_start3A_157 = tpu.memref_slice %arg2[%dma_start3A_155, %dma_start3A_156] : memref<10000x128xf32, #tpu.memory_space<hbm>> -> memref<10000x128xf32, #tpu.memory_space<hbm>>
            tpu.enqueue_indirect_dma source(%dma_start3A_157 : memref<10000x128xf32, #tpu.memory_space<hbm>>) target(%arg10 : memref<128x128xf32, #tpu.memory_space<vmem>>) offsets(%dma_start3A_154 : memref<128xi32, #tpu.memory_space<vmem>>) semaphore(%arg14 : memref<!tpu.dma_semaphore, #tpu.memory_space<semaphore_mem>>)
          } else {
          }
          %convert_element_type3A_146 = arith.extui %eq3A_89 : i1 to i32
          %cond3A_147 = arith.constant 0 : i32
          %cond3A_148 = arith.cmpi ne, %convert_element_type3A_146, %cond3A_147 : i32
          scf.if %cond3A_148 {
            %dma_start3A = arith.constant 1 : i32
            %dma_start3A_149 = arith.constant 0 : i32
            %dma_start3A_150 = tpu.memref_slice %arg6[%dma_start3A, %dma_start3A_149] : memref<8x128xi32, #tpu.memory_space<vmem>> -> memref<1x128xi32, #tpu.memory_space<vmem>>
            %dma_start3A_151 = tpu.memref_squeeze %dma_start3A_150 : memref<1x128xi32, #tpu.memory_space<vmem>> -> memref<128xi32, #tpu.memory_space<vmem>>
            %dma_start3A_152 = arith.constant 0 : i32
            %dma_start3A_153 = arith.constant 0 : i32
            %dma_start3A_154 = tpu.memref_slice %arg2[%dma_start3A_152, %dma_start3A_153] : memref<10000x128xf32, #tpu.memory_space<hbm>> -> memref<10000x128xf32, #tpu.memory_space<hbm>>
            tpu.enqueue_indirect_dma source(%dma_start3A_154 : memref<10000x128xf32, #tpu.memory_space<hbm>>) target(%arg10 : memref<128x128xf32, #tpu.memory_space<vmem>>) offsets(%dma_start3A_151 : memref<128xi32, #tpu.memory_space<vmem>>) semaphore(%arg14 : memref<!tpu.dma_semaphore, #tpu.memory_space<semaphore_mem>>)
          } else {
          }
        } else {
        }
      } else {
      }
      %eq3A_115 = arith.constant 1 : i32
      %eq3A_116 = arith.cmpi eq, %rem3A_85, %eq3A_115 : i32
      %convert_element_type3A_117 = arith.extui %eq3A_116 : i1 to i32
      %cond3A_118 = arith.constant 0 : i32
      %cond3A_119 = arith.cmpi ne, %convert_element_type3A_117, %cond3A_118 : i32
      scf.if %cond3A_119 {
        %add3A_127 = arith.constant 1 : i32
        %add3A_128 = arith.addi %rem3A_87, %add3A_127 : i32
        %dma_wait3A = arith.constant 0 : i32
        %dma_wait3A_129 = tpu.memref_slice %arg6[%add3A_128, %dma_wait3A] : memref<8x128xi32, #tpu.memory_space<vmem>> -> memref<1x128xi32, #tpu.memory_space<vmem>>
        %dma_wait3A_130 = tpu.memref_squeeze %dma_wait3A_129 : memref<1x128xi32, #tpu.memory_space<vmem>> -> memref<128xi32, #tpu.memory_space<vmem>>
        %dma_wait3A_131 = arith.constant 0 : i32
        %dma_wait3A_132 = arith.constant 0 : i32
        %dma_wait3A_133 = tpu.memref_slice %arg2[%dma_wait3A_131, %dma_wait3A_132] : memref<10000x128xf32, #tpu.memory_space<hbm>> -> memref<10000x128xf32, #tpu.memory_space<hbm>>
        tpu.wait_indirect_dma semaphore(%arg14 : memref<!tpu.dma_semaphore, #tpu.memory_space<semaphore_mem>>) src(%dma_wait3A_133 : memref<10000x128xf32, #tpu.memory_space<hbm>>) dst(%arg10 : memref<128x128xf32, #tpu.memory_space<vmem>>)
        %add3A_134 = arith.constant 1 : i32
        %add3A_135 = arith.addi %rem3A_87, %add3A_134 : i32
        "tpu.region"() ({
          %run_scoped3A = tpu.sem_alloc : memref<!tpu.dma_semaphore, #tpu.memory_space<semaphore_mem>>
          %dma_start3A = arith.constant 0 : i32
          %dma_start3A_142 = tpu.memref_slice %arg8[%add3A_135, %dma_start3A] : memref<8x128xi32, #tpu.memory_space<vmem>> -> memref<1x128xi32, #tpu.memory_space<vmem>>
          %dma_start3A_143 = tpu.memref_squeeze %dma_start3A_142 : memref<1x128xi32, #tpu.memory_space<vmem>> -> memref<128xi32, #tpu.memory_space<vmem>>
          %dma_start3A_144 = arith.constant 0 : i32
          %dma_start3A_145 = arith.constant 0 : i32
          %dma_start3A_146 = tpu.memref_slice %arg12[%dma_start3A_144, %dma_start3A_145] : memref<10240x128xf32, #tpu.memory_space<vmem_shared>> -> memref<10240x128xf32, #tpu.memory_space<vmem_shared>>
          tpu.enqueue_indirect_dma source(%arg10 : memref<128x128xf32, #tpu.memory_space<vmem>>) target(%dma_start3A_146 : memref<10240x128xf32, #tpu.memory_space<vmem_shared>>) offsets(%dma_start3A_143 : memref<128xi32, #tpu.memory_space<vmem>>) semaphore(%run_scoped3A : memref<!tpu.dma_semaphore, #tpu.memory_space<semaphore_mem>>) {add = true}
          %dma_wait3A_147 = arith.constant 0 : i32
          %dma_wait3A_148 = tpu.memref_slice %arg8[%add3A_135, %dma_wait3A_147] : memref<8x128xi32, #tpu.memory_space<vmem>> -> memref<1x128xi32, #tpu.memory_space<vmem>>
          %dma_wait3A_149 = tpu.memref_squeeze %dma_wait3A_148 : memref<1x128xi32, #tpu.memory_space<vmem>> -> memref<128xi32, #tpu.memory_space<vmem>>
          %dma_wait3A_150 = arith.constant 0 : i32
          %dma_wait3A_151 = arith.constant 0 : i32
          %dma_wait3A_152 = tpu.memref_slice %arg12[%dma_wait3A_150, %dma_wait3A_151] : memref<10240x128xf32, #tpu.memory_space<vmem_shared>> -> memref<10240x128xf32, #tpu.memory_space<vmem_shared>>
          tpu.wait_indirect_dma semaphore(%run_scoped3A : memref<!tpu.dma_semaphore, #tpu.memory_space<semaphore_mem>>) src(%arg10 : memref<128x128xf32, #tpu.memory_space<vmem>>) dst(%dma_wait3A_152 : memref<10240x128xf32, #tpu.memory_space<vmem_shared>>)
          tpu.yield
        }) : () -> ()
        %add3A_136 = arith.constant 2 : i32
        %add3A_137 = arith.addi %add3A_109, %add3A_136 : i32
        %lt3A_138 = arith.cmpi slt, %add3A_137, %select_n3A : i32
        %convert_element_type3A_139 = arith.extui %lt3A_138 : i1 to i32
        %cond3A_140 = arith.constant 0 : i32
        %cond3A_141 = arith.cmpi ne, %convert_element_type3A_139, %cond3A_140 : i32
        scf.if %cond3A_141 {
          %not3A = arith.constant true
          %not3A_142 = arith.xori %eq3A_89, %not3A : i1
          %convert_element_type3A_143 = arith.extui %not3A_142 : i1 to i32
          %cond3A_144 = arith.constant 0 : i32
          %cond3A_145 = arith.cmpi ne, %convert_element_type3A_143, %cond3A_144 : i32
          scf.if %cond3A_145 {
            %add3A_149 = arith.constant 1 : i32
            %add3A_150 = arith.addi %rem3A_87, %add3A_149 : i32
            %add3A_151 = arith.constant 2 : i32
            %add3A_152 = arith.addi %add3A_150, %add3A_151 : i32
            %dma_start3A = arith.constant 0 : i32
            %dma_start3A_153 = tpu.memref_slice %arg6[%add3A_152, %dma_start3A] : memref<8x128xi32, #tpu.memory_space<vmem>> -> memref<1x128xi32, #tpu.memory_space<vmem>>
            %dma_start3A_154 = tpu.memref_squeeze %dma_start3A_153 : memref<1x128xi32, #tpu.memory_space<vmem>> -> memref<128xi32, #tpu.memory_space<vmem>>
            %dma_start3A_155 = arith.constant 0 : i32
            %dma_start3A_156 = arith.constant 0 : i32
            %dma_start3A_157 = tpu.memref_slice %arg2[%dma_start3A_155, %dma_start3A_156] : memref<10000x128xf32, #tpu.memory_space<hbm>> -> memref<10000x128xf32, #tpu.memory_space<hbm>>
            tpu.enqueue_indirect_dma source(%dma_start3A_157 : memref<10000x128xf32, #tpu.memory_space<hbm>>) target(%arg10 : memref<128x128xf32, #tpu.memory_space<vmem>>) offsets(%dma_start3A_154 : memref<128xi32, #tpu.memory_space<vmem>>) semaphore(%arg14 : memref<!tpu.dma_semaphore, #tpu.memory_space<semaphore_mem>>)
          } else {
          }
          %convert_element_type3A_146 = arith.extui %eq3A_89 : i1 to i32
          %cond3A_147 = arith.constant 0 : i32
          %cond3A_148 = arith.cmpi ne, %convert_element_type3A_146, %cond3A_147 : i32
          scf.if %cond3A_148 {
            %dma_start3A = arith.constant 1 : i32
            %dma_start3A_149 = arith.constant 0 : i32
            %dma_start3A_150 = tpu.memref_slice %arg5[%dma_start3A, %dma_start3A_149] : memref<8x128xi32, #tpu.memory_space<vmem>> -> memref<1x128xi32, #tpu.memory_space<vmem>>
            %dma_start3A_151 = tpu.memref_squeeze %dma_start3A_150 : memref<1x128xi32, #tpu.memory_space<vmem>> -> memref<128xi32, #tpu.memory_space<vmem>>
            %dma_start3A_152 = arith.constant 0 : i32
            %dma_start3A_153 = arith.constant 0 : i32
            %dma_start3A_154 = tpu.memref_slice %arg2[%dma_start3A_152, %dma_start3A_153] : memref<10000x128xf32, #tpu.memory_space<hbm>> -> memref<10000x128xf32, #tpu.memory_space<hbm>>
            tpu.enqueue_indirect_dma source(%dma_start3A_154 : memref<10000x128xf32, #tpu.memory_space<hbm>>) target(%arg10 : memref<128x128xf32, #tpu.memory_space<vmem>>) offsets(%dma_start3A_151 : memref<128xi32, #tpu.memory_space<vmem>>) semaphore(%arg14 : memref<!tpu.dma_semaphore, #tpu.memory_space<semaphore_mem>>)
          } else {
          }
        } else {
        }
      } else {
      }
      %add3A_120 = arith.constant 2 : i32
      %add3A_121 = arith.addi %div3A_83, %add3A_120 : i32
      %lt3A_122 = arith.cmpi slt, %add3A_121, %select_n3A_19 : i32
      %and3A_123 = arith.andi %eq3A_89, %lt3A_122 : i1
      %convert_element_type3A_124 = arith.extui %and3A_123 : i1 to i32
      %cond3A_125 = arith.constant 0 : i32
      %cond3A_126 = arith.cmpi ne, %convert_element_type3A_124, %cond3A_125 : i32
      scf.if %cond3A_126 {
        %eq3A_127 = arith.constant 0 : i32
        %eq3A_128 = arith.cmpi eq, %rem3A_85, %eq3A_127 : i32
        %convert_element_type3A_129 = arith.extui %eq3A_128 : i1 to i32
        %cond3A_130 = arith.constant 0 : i32
        %cond3A_131 = arith.cmpi ne, %convert_element_type3A_129, %cond3A_130 : i32
        scf.if %cond3A_131 {
          %add3A_137 = arith.constant 2 : i32
          %add3A_138 = arith.addi %div3A_83, %add3A_137 : i32
          %mul3A_139 = arith.constant 8 : i32
          %mul3A_140 = arith.muli %add3A_138, %mul3A_139 : i32
          %add3A_141 = arith.addi %select_n3A_26, %mul3A_140 : i32
          %dma_start3A = arith.constant 0 : i32
          %dma_start3A_142 = arith.constant 0 : i32
          %dma_start3A_143 = arith.constant 0 : i32
          %dma_start3A_144 = tpu.memref_slice %arg3[%dma_start3A, %dma_start3A_142, %dma_start3A_143] : memref<2x2560x128xi32, #tpu.memory_space<hbm>> -> memref<1x2560x128xi32, #tpu.memory_space<hbm>>
          %dma_start3A_145 = tpu.memref_squeeze %dma_start3A_144 : memref<1x2560x128xi32, #tpu.memory_space<hbm>> -> memref<2560x128xi32, #tpu.memory_space<hbm>>
          %dma_start3A_146 = arith.constant 0 : i32
          %dma_start3A_147 = tpu.memref_slice %dma_start3A_145[%add3A_141, %dma_start3A_146] : memref<2560x128xi32, #tpu.memory_space<hbm>> -> memref<8x128xi32, #tpu.memory_space<hbm>>
          %dma_start3A_148 = arith.constant 0 : i32
          %dma_start3A_149 = arith.constant 0 : i32
          %dma_start3A_150 = tpu.memref_slice %arg3[%dma_start3A, %dma_start3A_148, %dma_start3A_149] : memref<2x2560x128xi32, #tpu.memory_space<hbm>> -> memref<1x2560x128xi32, #tpu.memory_space<hbm>>
          %dma_start3A_151 = tpu.memref_squeeze %dma_start3A_150 : memref<1x2560x128xi32, #tpu.memory_space<hbm>> -> memref<2560x128xi32, #tpu.memory_space<hbm>>
          %dma_start3A_152 = arith.constant 0 : i32
          %dma_start3A_153 = tpu.memref_slice %dma_start3A_151[%add3A_141, %dma_start3A_152] : memref<2560x128xi32, #tpu.memory_space<hbm>> -> memref<8x128xi32, #tpu.memory_space<hbm>>
          tpu.enqueue_dma source(%dma_start3A_153 : memref<8x128xi32, #tpu.memory_space<hbm>>) target(%arg5 : memref<8x128xi32, #tpu.memory_space<vmem>>) target_semaphore(%arg15 : memref<!tpu.dma_semaphore, #tpu.memory_space<semaphore_mem>>)
          %dma_start3A_154 = arith.constant 1 : i32
          %dma_start3A_155 = arith.constant 0 : i32
          %dma_start3A_156 = arith.constant 0 : i32
          %dma_start3A_157 = tpu.memref_slice %arg3[%dma_start3A_154, %dma_start3A_155, %dma_start3A_156] : memref<2x2560x128xi32, #tpu.memory_space<hbm>> -> memref<1x2560x128xi32, #tpu.memory_space<hbm>>
          %dma_start3A_158 = tpu.memref_squeeze %dma_start3A_157 : memref<1x2560x128xi32, #tpu.memory_space<hbm>> -> memref<2560x128xi32, #tpu.memory_space<hbm>>
          %dma_start3A_159 = arith.constant 0 : i32
          %dma_start3A_160 = tpu.memref_slice %dma_start3A_158[%add3A_141, %dma_start3A_159] : memref<2560x128xi32, #tpu.memory_space<hbm>> -> memref<8x128xi32, #tpu.memory_space<hbm>>
          %dma_start3A_161 = arith.constant 0 : i32
          %dma_start3A_162 = arith.constant 0 : i32
          %dma_start3A_163 = tpu.memref_slice %arg3[%dma_start3A_154, %dma_start3A_161, %dma_start3A_162] : memref<2x2560x128xi32, #tpu.memory_space<hbm>> -> memref<1x2560x128xi32, #tpu.memory_space<hbm>>
          %dma_start3A_164 = tpu.memref_squeeze %dma_start3A_163 : memref<1x2560x128xi32, #tpu.memory_space<hbm>> -> memref<2560x128xi32, #tpu.memory_space<hbm>>
          %dma_start3A_165 = arith.constant 0 : i32
          %dma_start3A_166 = tpu.memref_slice %dma_start3A_164[%add3A_141, %dma_start3A_165] : memref<2560x128xi32, #tpu.memory_space<hbm>> -> memref<8x128xi32, #tpu.memory_space<hbm>>
          tpu.enqueue_dma source(%dma_start3A_166 : memref<8x128xi32, #tpu.memory_space<hbm>>) target(%arg7 : memref<8x128xi32, #tpu.memory_space<vmem>>) target_semaphore(%arg15 : memref<!tpu.dma_semaphore, #tpu.memory_space<semaphore_mem>>)
        } else {
        }
        %eq3A_132 = arith.constant 1 : i32
        %eq3A_133 = arith.cmpi eq, %rem3A_85, %eq3A_132 : i32
        %convert_element_type3A_134 = arith.extui %eq3A_133 : i1 to i32
        %cond3A_135 = arith.constant 0 : i32
        %cond3A_136 = arith.cmpi ne, %convert_element_type3A_134, %cond3A_135 : i32
        scf.if %cond3A_136 {
          %add3A_137 = arith.constant 2 : i32
          %add3A_138 = arith.addi %div3A_83, %add3A_137 : i32
          %mul3A_139 = arith.constant 8 : i32
          %mul3A_140 = arith.muli %add3A_138, %mul3A_139 : i32
          %add3A_141 = arith.addi %select_n3A_26, %mul3A_140 : i32
          %dma_start3A = arith.constant 0 : i32
          %dma_start3A_142 = arith.constant 0 : i32
          %dma_start3A_143 = arith.constant 0 : i32
          %dma_start3A_144 = tpu.memref_slice %arg3[%dma_start3A, %dma_start3A_142, %dma_start3A_143] : memref<2x2560x128xi32, #tpu.memory_space<hbm>> -> memref<1x2560x128xi32, #tpu.memory_space<hbm>>
          %dma_start3A_145 = tpu.memref_squeeze %dma_start3A_144 : memref<1x2560x128xi32, #tpu.memory_space<hbm>> -> memref<2560x128xi32, #tpu.memory_space<hbm>>
          %dma_start3A_146 = arith.constant 0 : i32
          %dma_start3A_147 = tpu.memref_slice %dma_start3A_145[%add3A_141, %dma_start3A_146] : memref<2560x128xi32, #tpu.memory_space<hbm>> -> memref<8x128xi32, #tpu.memory_space<hbm>>
          %dma_start3A_148 = arith.constant 0 : i32
          %dma_start3A_149 = arith.constant 0 : i32
          %dma_start3A_150 = tpu.memref_slice %arg3[%dma_start3A, %dma_start3A_148, %dma_start3A_149] : memref<2x2560x128xi32, #tpu.memory_space<hbm>> -> memref<1x2560x128xi32, #tpu.memory_space<hbm>>
          %dma_start3A_151 = tpu.memref_squeeze %dma_start3A_150 : memref<1x2560x128xi32, #tpu.memory_space<hbm>> -> memref<2560x128xi32, #tpu.memory_space<hbm>>
          %dma_start3A_152 = arith.constant 0 : i32
          %dma_start3A_153 = tpu.memref_slice %dma_start3A_151[%add3A_141, %dma_start3A_152] : memref<2560x128xi32, #tpu.memory_space<hbm>> -> memref<8x128xi32, #tpu.memory_space<hbm>>
          tpu.enqueue_dma source(%dma_start3A_153 : memref<8x128xi32, #tpu.memory_space<hbm>>) target(%arg6 : memref<8x128xi32, #tpu.memory_space<vmem>>) target_semaphore(%arg16 : memref<!tpu.dma_semaphore, #tpu.memory_space<semaphore_mem>>)
          %dma_start3A_154 = arith.constant 1 : i32
          %dma_start3A_155 = arith.constant 0 : i32
          %dma_start3A_156 = arith.constant 0 : i32
          %dma_start3A_157 = tpu.memref_slice %arg3[%dma_start3A_154, %dma_start3A_155, %dma_start3A_156] : memref<2x2560x128xi32, #tpu.memory_space<hbm>> -> memref<1x2560x128xi32, #tpu.memory_space<hbm>>
          %dma_start3A_158 = tpu.memref_squeeze %dma_start3A_157 : memref<1x2560x128xi32, #tpu.memory_space<hbm>> -> memref<2560x128xi32, #tpu.memory_space<hbm>>
          %dma_start3A_159 = arith.constant 0 : i32
          %dma_start3A_160 = tpu.memref_slice %dma_start3A_158[%add3A_141, %dma_start3A_159] : memref<2560x128xi32, #tpu.memory_space<hbm>> -> memref<8x128xi32, #tpu.memory_space<hbm>>
          %dma_start3A_161 = arith.constant 0 : i32
          %dma_start3A_162 = arith.constant 0 : i32
          %dma_start3A_163 = tpu.memref_slice %arg3[%dma_start3A_154, %dma_start3A_161, %dma_start3A_162] : memref<2x2560x128xi32, #tpu.memory_space<hbm>> -> memref<1x2560x128xi32, #tpu.memory_space<hbm>>
          %dma_start3A_164 = tpu.memref_squeeze %dma_start3A_163 : memref<1x2560x128xi32, #tpu.memory_space<hbm>> -> memref<2560x128xi32, #tpu.memory_space<hbm>>
          %dma_start3A_165 = arith.constant 0 : i32
          %dma_start3A_166 = tpu.memref_slice %dma_start3A_164[%add3A_141, %dma_start3A_165] : memref<2560x128xi32, #tpu.memory_space<hbm>> -> memref<8x128xi32, #tpu.memory_space<hbm>>
          tpu.enqueue_dma source(%dma_start3A_166 : memref<8x128xi32, #tpu.memory_space<hbm>>) target(%arg8 : memref<8x128xi32, #tpu.memory_space<vmem>>) target_semaphore(%arg16 : memref<!tpu.dma_semaphore, #tpu.memory_space<semaphore_mem>>)
        } else {
        }
      } else {
      }
    }
    %barrier3A_74 = arith.constant 0 : index
    tpu.barrier barrier_id(%barrier3A_74)
    %mul3A_75 = arith.constant 640 : i32
    %mul3A_76 = arith.muli %arg1, %mul3A_75 : i32
    %mul3A_77 = arith.constant 640 : i32
    %mul3A_78 = arith.muli %arg1, %mul3A_77 : i32
    "tpu.region"() ({
      %run_scoped3A = tpu.sem_alloc : memref<!tpu.dma_semaphore, #tpu.memory_space<semaphore_mem>>
      %dma_start3A = arith.constant 0 : i32
      %dma_start3A_79 = arith.constant 0 : i32
      %dma_start3A_80 = tpu.memref_slice %arg4[%arg0, %dma_start3A, %dma_start3A_79] : memref<2x10240x128xf32, #tpu.memory_space<hbm>> -> memref<1x10240x128xf32, #tpu.memory_space<hbm>>
      %dma_start3A_81 = tpu.memref_squeeze %dma_start3A_80 : memref<1x10240x128xf32, #tpu.memory_space<hbm>> -> memref<10240x128xf32, #tpu.memory_space<hbm>>
      %dma_start3A_82 = arith.constant 0 : i32
      %dma_start3A_83 = tpu.memref_slice %dma_start3A_81[%mul3A_78, %dma_start3A_82] : memref<10240x128xf32, #tpu.memory_space<hbm>> -> memref<640x128xf32, #tpu.memory_space<hbm>>
      %dma_start3A_84 = arith.constant 0 : i32
      %dma_start3A_85 = tpu.memref_slice %arg12[%mul3A_76, %dma_start3A_84] : memref<10240x128xf32, #tpu.memory_space<vmem_shared>> -> memref<640x128xf32, #tpu.memory_space<vmem_shared>>
      tpu.enqueue_dma source(%dma_start3A_85 : memref<640x128xf32, #tpu.memory_space<vmem_shared>>) target(%dma_start3A_83 : memref<640x128xf32, #tpu.memory_space<hbm>>) target_semaphore(%run_scoped3A : memref<!tpu.dma_semaphore, #tpu.memory_space<semaphore_mem>>)
      %dma_wait3A = arith.constant 0 : i32
      %dma_wait3A_86 = arith.constant 0 : i32
      %dma_wait3A_87 = tpu.memref_slice %arg4[%arg0, %dma_wait3A, %dma_wait3A_86] : memref<2x10240x128xf32, #tpu.memory_space<hbm>> -> memref<1x10240x128xf32, #tpu.memory_space<hbm>>
      %dma_wait3A_88 = tpu.memref_squeeze %dma_wait3A_87 : memref<1x10240x128xf32, #tpu.memory_space<hbm>> -> memref<10240x128xf32, #tpu.memory_space<hbm>>
      %dma_wait3A_89 = arith.constant 0 : i32
      %dma_wait3A_90 = tpu.memref_slice %dma_wait3A_88[%mul3A_78, %dma_wait3A_89] : memref<10240x128xf32, #tpu.memory_space<hbm>> -> memref<640x128xf32, #tpu.memory_space<hbm>>
      %dma_wait3A_91 = arith.constant 0 : i32
      %dma_wait3A_92 = tpu.memref_slice %arg12[%mul3A_76, %dma_wait3A_91] : memref<10240x128xf32, #tpu.memory_space<vmem_shared>> -> memref<640x128xf32, #tpu.memory_space<vmem_shared>>
      tpu.wait_dma2 semaphore(%run_scoped3A : memref<!tpu.dma_semaphore, #tpu.memory_space<semaphore_mem>>) src(%dma_wait3A_92 : memref<640x128xf32, #tpu.memory_space<vmem_shared>>) dst(%dma_wait3A_90 : memref<640x128xf32, #tpu.memory_space<hbm>>)
      tpu.yield
    }) : () -> ()
    return
  }
}

#map = affine_map<(d0, d1) -> (0)>
#map1 = affine_map<(d0, d1) -> (0, 0)>
module attributes {stable_mosaic.version = 14 : i64} {
  func.func @_deg_kernel(%arg0: i32, %arg1: i32, %arg2: memref<320000xi32, #tpu.memory_space<hbm>>, %arg3: memref<32x10000xf32, #tpu.memory_space<hbm>>, %arg4: memref<10000xi32, #tpu.memory_space<vmem>>, %arg5: memref<10000xf32, #tpu.memory_space<vmem>>) attributes {dimension_semantics = [#tpu.dimension_semantics<core_parallel>, #tpu.dimension_semantics<subcore_parallel>], iteration_bounds = array<i64: 2, 16>, scalar_prefetch = 0 : i64, scratch_operands = 2 : i64, tpu.core_type = #tpu.core_type<sc_vector_subcore>, window_params = [{transform_indices = #map}, {transform_indices = #map1}]} {
    %mul3A = arith.constant 2 : i32
    %mul3A_0 = arith.muli %arg1, %mul3A : i32
    %add3A = arith.addi %mul3A_0, %arg0 : i32
    %mul3A_1 = arith.constant 10000 : i32
    %mul3A_2 = arith.muli %add3A, %mul3A_1 : i32
    "tpu.region"() ({
      %run_scoped3A = tpu.sem_alloc : memref<!tpu.dma_semaphore, #tpu.memory_space<semaphore_mem>>
      %dma_start3A = tpu.memref_slice %arg2[%mul3A_2] : memref<320000xi32, #tpu.memory_space<hbm>> -> memref<10000xi32, #tpu.memory_space<hbm>>
      %dma_start3A_17 = tpu.memref_slice %arg2[%mul3A_2] : memref<320000xi32, #tpu.memory_space<hbm>> -> memref<10000xi32, #tpu.memory_space<hbm>>
      tpu.enqueue_dma source(%dma_start3A_17 : memref<10000xi32, #tpu.memory_space<hbm>>) target(%arg4 : memref<10000xi32, #tpu.memory_space<vmem>>) target_semaphore(%run_scoped3A : memref<!tpu.dma_semaphore, #tpu.memory_space<semaphore_mem>>)
      %dma_wait3A = tpu.memref_slice %arg2[%mul3A_2] : memref<320000xi32, #tpu.memory_space<hbm>> -> memref<10000xi32, #tpu.memory_space<hbm>>
      %dma_wait3A_18 = tpu.memref_slice %arg2[%mul3A_2] : memref<320000xi32, #tpu.memory_space<hbm>> -> memref<10000xi32, #tpu.memory_space<hbm>>
      tpu.wait_dma2 semaphore(%run_scoped3A : memref<!tpu.dma_semaphore, #tpu.memory_space<semaphore_mem>>) src(%dma_wait3A_18 : memref<10000xi32, #tpu.memory_space<hbm>>) dst(%arg4 : memref<10000xi32, #tpu.memory_space<vmem>>)
      tpu.yield
    }) : () -> ()
    %broadcast_in_dim3A = arith.constant 0.000000e+00 : f32
    %broadcast_in_dim3A_3 = vector.broadcast %broadcast_in_dim3A : f32 to vector<16xf32>
    %scan3A = arith.constant 0 : i32
    %scan3A_4 = arith.constant 0 : i32
    %scan3A_5 = arith.constant 625 : i32
    %scan3A_6 = arith.addi %scan3A_4, %scan3A_5 : i32
    %scan3A_7 = arith.constant 1 : i32
    scf.for %scan3A_17 = %scan3A_4 to %scan3A_6 step %scan3A_7  : i32 {
      %mul3A_18 = arith.constant 16 : i32
      %mul3A_19 = arith.muli %scan3A_17, %mul3A_18 : i32
      %swap3A = arith.index_cast %mul3A_19 : i32 to index
      %swap3A_20 = tpu.vector_load %arg5[%swap3A] {strides = array<i32>} : memref<10000xf32, #tpu.memory_space<vmem>>, vector<16xf32>,
      tpu.vector_store %arg5[%swap3A], %broadcast_in_dim3A_3 {strides = array<i32>} : memref<10000xf32, #tpu.memory_space<vmem>>, vector<16xf32>,
    }
    %scan3A_8 = arith.constant 625 : i32
    %broadcast_in_dim3A_9 = arith.constant 1.000000e+00 : f32
    %broadcast_in_dim3A_10 = vector.broadcast %broadcast_in_dim3A_9 : f32 to vector<16xf32>
    %scan3A_11 = arith.constant 0 : i32
    %scan3A_12 = arith.constant 0 : i32
    %scan3A_13 = arith.constant 625 : i32
    %scan3A_14 = arith.addi %scan3A_12, %scan3A_13 : i32
    %scan3A_15 = arith.constant 1 : i32
    scf.for %scan3A_17 = %scan3A_12 to %scan3A_14 step %scan3A_15  : i32 {
      %mul3A_18 = arith.constant 16 : i32
      %mul3A_19 = arith.muli %scan3A_17, %mul3A_18 : i32
      %get3A = arith.index_cast %mul3A_19 : i32 to index
      %get3A_20 = tpu.vector_load %arg4[%get3A] {strides = array<i32>} : memref<10000xi32, #tpu.memory_space<vmem>>, vector<16xi32>,
      tpu.vector_store_idx %arg5[%get3A_20], %broadcast_in_dim3A_10 {add = true} : memref<10000xf32, #tpu.memory_space<vmem>>[vector<16xi32>], vector<16xf32>,
    }
    %scan3A_16 = arith.constant 625 : i32
    "tpu.region"() ({
      %run_scoped3A = tpu.sem_alloc : memref<!tpu.dma_semaphore, #tpu.memory_space<semaphore_mem>>
      %dma_start3A = arith.constant 0 : i32
      %dma_start3A_17 = tpu.memref_slice %arg3[%add3A, %dma_start3A] : memref<32x10000xf32, #tpu.memory_space<hbm>> -> memref<1x10000xf32, #tpu.memory_space<hbm>>
      %dma_start3A_18 = tpu.memref_squeeze %dma_start3A_17 : memref<1x10000xf32, #tpu.memory_space<hbm>> -> memref<10000xf32, #tpu.memory_space<hbm>>
      %dma_start3A_19 = arith.constant 0 : i32
      %dma_start3A_20 = tpu.memref_slice %arg3[%add3A, %dma_start3A_19] : memref<32x10000xf32, #tpu.memory_space<hbm>> -> memref<1x10000xf32, #tpu.memory_space<hbm>>
      %dma_start3A_21 = tpu.memref_squeeze %dma_start3A_20 : memref<1x10000xf32, #tpu.memory_space<hbm>> -> memref<10000xf32, #tpu.memory_space<hbm>>
      tpu.enqueue_dma source(%arg5 : memref<10000xf32, #tpu.memory_space<vmem>>) target(%dma_start3A_21 : memref<10000xf32, #tpu.memory_space<hbm>>) target_semaphore(%run_scoped3A : memref<!tpu.dma_semaphore, #tpu.memory_space<semaphore_mem>>)
      %dma_wait3A = arith.constant 0 : i32
      %dma_wait3A_22 = tpu.memref_slice %arg3[%add3A, %dma_wait3A] : memref<32x10000xf32, #tpu.memory_space<hbm>> -> memref<1x10000xf32, #tpu.memory_space<hbm>>
      %dma_wait3A_23 = tpu.memref_squeeze %dma_wait3A_22 : memref<1x10000xf32, #tpu.memory_space<hbm>> -> memref<10000xf32, #tpu.memory_space<hbm>>
      %dma_wait3A_24 = arith.constant 0 : i32
      %dma_wait3A_25 = tpu.memref_slice %arg3[%add3A, %dma_wait3A_24] : memref<32x10000xf32, #tpu.memory_space<hbm>> -> memref<1x10000xf32, #tpu.memory_space<hbm>>
      %dma_wait3A_26 = tpu.memref_squeeze %dma_wait3A_25 : memref<1x10000xf32, #tpu.memory_space<hbm>> -> memref<10000xf32, #tpu.memory_space<hbm>>
      tpu.wait_dma2 semaphore(%run_scoped3A : memref<!tpu.dma_semaphore, #tpu.memory_space<semaphore_mem>>) src(%arg5 : memref<10000xf32, #tpu.memory_space<vmem>>) dst(%dma_wait3A_26 : memref<10000xf32, #tpu.memory_space<hbm>>)
      tpu.yield
    }) : () -> ()
    return
  }
}

module attributes {stable_mosaic.version = 14 : i64} {
  func.func @_combine_body(%arg0: i32, %arg1: memref<1000x128xf32, #tpu.memory_space<vmem>>, %arg2: memref<2x1000x128xf32, #tpu.memory_space<vmem>>, %arg3: memref<1x32x1000xf32, #tpu.memory_space<vmem>>, %arg4: memref<1000x128xf32, #tpu.memory_space<vmem>>) attributes {dimension_semantics = [#tpu.dimension_semantics<arbitrary>], iteration_bounds = array<i64: 10>, scalar_prefetch = 0 : i64, scratch_operands = 0 : i64, tpu.core_type = #tpu.core_type<tc>, window_params = [{transform_indices = @transform_0, window_bounds = array<i64: 1000, 128>}, {transform_indices = @transform_1, window_bounds = array<i64: 2, 1000, 128>}, {transform_indices = @transform_2, window_bounds = array<i64: 1, 32, 1000>}, {transform_indices = @transform_3, window_bounds = array<i64: 1000, 128>}]} {
    %get3A = arith.constant 0 : index
    %get3A_0 = arith.constant 0 : index
    %get3A_1 = arith.constant 0 : index
    %get3A_2 = vector.load %arg3[%get3A, %get3A_0, %get3A_1] : memref<1x32x1000xf32, #tpu.memory_space<vmem>>, vector<1x32x1000xf32>
    %get3A_3 = vector.shape_cast %get3A_2 : vector<1x32x1000xf32> to vector<32x1000xf32>
    %reduce_sum3A = arith.constant dense<0.000000e+00> : vector<1000xf32>
    %reduce_sum3A_4 = vector.multi_reduction <add>, %get3A_3, %reduce_sum3A [0] : vector<32x1000xf32> to vector<1000xf32>
    %add3A = arith.constant 1.000000e+00 : f32
    %add3A_5 = vector.broadcast %add3A : f32 to vector<1000xf32>
    %add3A_6 = arith.addf %reduce_sum3A_4, %add3A_5 : vector<1000xf32>
    %rsqrt3A = math.rsqrt %add3A_6 : vector<1000xf32>
    %get3A_7 = arith.constant 0 : index
    %get3A_8 = arith.constant 0 : index
    %get3A_9 = arith.constant 0 : index
    %get3A_10 = vector.load %arg2[%get3A_7, %get3A_8, %get3A_9] : memref<2x1000x128xf32, #tpu.memory_space<vmem>>, vector<1x1000x128xf32>
    %get3A_11 = vector.shape_cast %get3A_10 : vector<1x1000x128xf32> to vector<1000x128xf32>
    %get3A_12 = arith.constant 1 : index
    %get3A_13 = arith.constant 0 : index
    %get3A_14 = arith.constant 0 : index
    %get3A_15 = vector.load %arg2[%get3A_12, %get3A_13, %get3A_14] : memref<2x1000x128xf32, #tpu.memory_space<vmem>>, vector<1x1000x128xf32>
    %get3A_16 = vector.shape_cast %get3A_15 : vector<1x1000x128xf32> to vector<1000x128xf32>
    %add3A_17 = arith.addf %get3A_11, %get3A_16 : vector<1000x128xf32>
    %get3A_18 = arith.constant 0 : index
    %get3A_19 = arith.constant 0 : index
    %get3A_20 = vector.load %arg1[%get3A_18, %get3A_19] : memref<1000x128xf32, #tpu.memory_space<vmem>>, vector<1000x128xf32>
    %broadcast_in_dim3A = vector.shape_cast %rsqrt3A : vector<1000xf32> to vector<1000x1xf32>
    %mul3A = vector.broadcast %broadcast_in_dim3A : vector<1000x1xf32> to vector<1000x128xf32>
    %mul3A_21 = arith.mulf %mul3A, %add3A_17 : vector<1000x128xf32>
    %add3A_22 = arith.addf %get3A_20, %mul3A_21 : vector<1000x128xf32>
    %swap3A = arith.constant 0 : index
    %swap3A_23 = arith.constant 0 : index
    %swap3A_24 = vector.load %arg4[%swap3A, %swap3A_23] : memref<1000x128xf32, #tpu.memory_space<vmem>>, vector<1000x128xf32>
    tpu.vector_store %arg4[%swap3A, %swap3A_23], %add3A_22 {strides = array<i32>} : memref<1000x128xf32, #tpu.memory_space<vmem>>, vector<1000x128xf32>,
    return
  }
  func.func @transform_0(%arg0: i32) -> (i32, i32) {
    %c0_i32 = arith.constant 0 : i32
    %c0_i32_0 = arith.constant 0 : i32
    return %arg0, %c0_i32 : i32, i32
  }
  func.func @transform_1(%arg0: i32) -> (i32, i32, i32) {
    %c0_i32 = arith.constant 0 : i32
    %c0_i32_0 = arith.constant 0 : i32
    %c0_i32_1 = arith.constant 0 : i32
    return %c0_i32, %arg0, %c0_i32_0 : i32, i32, i32
  }
  func.func @transform_2(%arg0: i32) -> (i32, i32, i32) {
    %c0_i32 = arith.constant 0 : i32
    %c0_i32_0 = arith.constant 0 : i32
    %c0_i32_1 = arith.constant 0 : i32
    return %arg0, %c0_i32, %c0_i32_0 : i32, i32, i32
  }
  func.func @transform_3(%arg0: i32) -> (i32, i32) {
    %c0_i32 = arith.constant 0 : i32
    %c0_i32_0 = arith.constant 0 : i32
    return %arg0, %c0_i32 : i32, i32
  }
}

module attributes {stable_mosaic.version = 14 : i64} {
  func.func @_dense_body(%arg0: i32, %arg1: memref<1000x128xf32, #tpu.memory_space<vmem>>, %arg2: memref<128x128xf32, #tpu.memory_space<vmem>>, %arg3: memref<128x128xf32, #tpu.memory_space<vmem>>, %arg4: memref<1x128xf32, #tpu.memory_space<vmem>>, %arg5: memref<1x128xf32, #tpu.memory_space<vmem>>, %arg6: memref<1x32x1000xf32, #tpu.memory_space<vmem>>, %arg7: memref<1000x128xf32, #tpu.memory_space<vmem>>, %arg8: memref<1000x128xf32, #tpu.memory_space<vmem>>) attributes {dimension_semantics = [#tpu.dimension_semantics<arbitrary>], iteration_bounds = array<i64: 10>, scalar_prefetch = 0 : i64, scratch_operands = 0 : i64, tpu.core_type = #tpu.core_type<tc>, window_params = [{transform_indices = @transform_0, window_bounds = array<i64: 1000, 128>}, {pipeline_mode = #tpu.pipeline_mode<synchronous>, transform_indices = @transform_1, window_bounds = array<i64: 128, 128>}, {pipeline_mode = #tpu.pipeline_mode<synchronous>, transform_indices = @transform_2, window_bounds = array<i64: 128, 128>}, {pipeline_mode = #tpu.pipeline_mode<synchronous>, transform_indices = @transform_3, window_bounds = array<i64: 1, 128>}, {pipeline_mode = #tpu.pipeline_mode<synchronous>, transform_indices = @transform_4, window_bounds = array<i64: 1, 128>}, {transform_indices = @transform_5, window_bounds = array<i64: 1, 32, 1000>}, {transform_indices = @transform_6, window_bounds = array<i64: 1000, 128>}, {transform_indices = @transform_7, window_bounds = array<i64: 1000, 128>}]} {
    %get3A = arith.constant 0 : index
    %get3A_0 = arith.constant 0 : index
    %get3A_1 = vector.load %arg1[%get3A, %get3A_0] : memref<1000x128xf32, #tpu.memory_space<vmem>>, vector<1000x128xf32>
    %get3A_2 = arith.constant 0 : index
    %get3A_3 = arith.constant 0 : index
    %get3A_4 = arith.constant 0 : index
    %get3A_5 = vector.load %arg6[%get3A_2, %get3A_3, %get3A_4] : memref<1x32x1000xf32, #tpu.memory_space<vmem>>, vector<1x32x1000xf32>
    %get3A_6 = vector.shape_cast %get3A_5 : vector<1x32x1000xf32> to vector<32x1000xf32>
    %reduce_sum3A = arith.constant dense<0.000000e+00> : vector<1000xf32>
    %reduce_sum3A_7 = vector.multi_reduction <add>, %get3A_6, %reduce_sum3A [0] : vector<32x1000xf32> to vector<1000xf32>
    %add3A = arith.constant 1.000000e+00 : f32
    %add3A_8 = vector.broadcast %add3A : f32 to vector<1000xf32>
    %add3A_9 = arith.addf %reduce_sum3A_7, %add3A_8 : vector<1000xf32>
    %rsqrt3A = math.rsqrt %add3A_9 : vector<1000xf32>
    %get3A_10 = arith.constant 0 : index
    %get3A_11 = arith.constant 0 : index
    %get3A_12 = vector.load %arg3[%get3A_10, %get3A_11] : memref<128x128xf32, #tpu.memory_space<vmem>>, vector<128x128xf32>
    %dot_general3A = arith.constant dense<0.000000e+00> : vector<1000x128xf32>
    %dot_general3A_13 = tpu.matmul %get3A_1, %get3A_12, %dot_general3A {dimension_numbers = #tpu.dot_dimension_numbers<[1], [0], [0], [1], [0, 0, 1, 1], [], []>, transpose_lhs_hint = false} : vector<1000x128xf32>, vector<128x128xf32>, vector<1000x128xf32> -> vector<1000x128xf32>
    %broadcast_in_dim3A = vector.shape_cast %rsqrt3A : vector<1000xf32> to vector<1000x1xf32>
    %mul3A = vector.broadcast %broadcast_in_dim3A : vector<1000x1xf32> to vector<1000x128xf32>
    %mul3A_14 = arith.mulf %dot_general3A_13, %mul3A : vector<1000x128xf32>
    %get3A_15 = arith.constant 0 : index
    %get3A_16 = arith.constant 0 : index
    %get3A_17 = vector.load %arg2[%get3A_15, %get3A_16] : memref<128x128xf32, #tpu.memory_space<vmem>>, vector<128x128xf32>
    %dot_general3A_18 = arith.constant dense<0.000000e+00> : vector<1000x128xf32>
    %dot_general3A_19 = tpu.matmul %get3A_1, %get3A_17, %dot_general3A_18 {dimension_numbers = #tpu.dot_dimension_numbers<[1], [0], [0], [1], [0, 0, 1, 1], [], []>, transpose_lhs_hint = false} : vector<1000x128xf32>, vector<128x128xf32>, vector<1000x128xf32> -> vector<1000x128xf32>
    %get3A_20 = arith.constant 0 : index
    %get3A_21 = arith.constant 0 : index
    %get3A_22 = vector.load %arg4[%get3A_20, %get3A_21] : memref<1x128xf32, #tpu.memory_space<vmem>>, vector<1x128xf32>
    %add3A_23 = vector.broadcast %get3A_22 : vector<1x128xf32> to vector<1000x128xf32>
    %add3A_24 = arith.addf %dot_general3A_19, %add3A_23 : vector<1000x128xf32>
    %get3A_25 = arith.constant 0 : index
    %get3A_26 = arith.constant 0 : index
    %get3A_27 = vector.load %arg5[%get3A_25, %get3A_26] : memref<1x128xf32, #tpu.memory_space<vmem>>, vector<1x128xf32>
    %add3A_28 = vector.broadcast %get3A_27 : vector<1x128xf32> to vector<1000x128xf32>
    %add3A_29 = arith.addf %add3A_24, %add3A_28 : vector<1000x128xf32>
    %broadcast_in_dim3A_30 = vector.shape_cast %rsqrt3A : vector<1000xf32> to vector<1000x1xf32>
    %mul3A_31 = vector.broadcast %broadcast_in_dim3A_30 : vector<1000x1xf32> to vector<1000x128xf32>
    %mul3A_32 = arith.mulf %mul3A_14, %mul3A_31 : vector<1000x128xf32>
    %add3A_33 = arith.addf %add3A_29, %mul3A_32 : vector<1000x128xf32>
    %swap3A = arith.constant 0 : index
    %swap3A_34 = arith.constant 0 : index
    %swap3A_35 = vector.load %arg7[%swap3A, %swap3A_34] : memref<1000x128xf32, #tpu.memory_space<vmem>>, vector<1000x128xf32>
    tpu.vector_store %arg7[%swap3A, %swap3A_34], %mul3A_14 {strides = array<i32>} : memref<1000x128xf32, #tpu.memory_space<vmem>>, vector<1000x128xf32>,
    %swap3A_36 = arith.constant 0 : index
    %swap3A_37 = arith.constant 0 : index
    %swap3A_38 = vector.load %arg8[%swap3A_36, %swap3A_37] : memref<1000x128xf32, #tpu.memory_space<vmem>>, vector<1000x128xf32>
    tpu.vector_store %arg8[%swap3A_36, %swap3A_37], %add3A_33 {strides = array<i32>} : memref<1000x128xf32, #tpu.memory_space<vmem>>, vector<1000x128xf32>,
    return
  }
  func.func @transform_0(%arg0: i32) -> (i32, i32) {
    %c0_i32 = arith.constant 0 : i32
    %c0_i32_0 = arith.constant 0 : i32
    return %arg0, %c0_i32 : i32, i32
  }
  func.func @transform_1(%arg0: i32) -> (i32, i32) {
    %c0_i32 = arith.constant 0 : i32
    %c0_i32_0 = arith.constant 0 : i32
    %c0_i32_1 = arith.constant 0 : i32
    return %c0_i32, %c0_i32_0 : i32, i32
  }
  func.func @transform_2(%arg0: i32) -> (i32, i32) {
    %c0_i32 = arith.constant 0 : i32
    %c0_i32_0 = arith.constant 0 : i32
    %c0_i32_1 = arith.constant 0 : i32
    return %c0_i32, %c0_i32_0 : i32, i32
  }
  func.func @transform_3(%arg0: i32) -> (i32, i32) {
    %c0_i32 = arith.constant 0 : i32
    %c0_i32_0 = arith.constant 0 : i32
    %c0_i32_1 = arith.constant 0 : i32
    return %c0_i32, %c0_i32_0 : i32, i32
  }
  func.func @transform_4(%arg0: i32) -> (i32, i32) {
    %c0_i32 = arith.constant 0 : i32
    %c0_i32_0 = arith.constant 0 : i32
    %c0_i32_1 = arith.constant 0 : i32
    return %c0_i32, %c0_i32_0 : i32, i32
  }
  func.func @transform_5(%arg0: i32) -> (i32, i32, i32) {
    %c0_i32 = arith.constant 0 : i32
    %c0_i32_0 = arith.constant 0 : i32
    %c0_i32_1 = arith.constant 0 : i32
    return %arg0, %c0_i32, %c0_i32_0 : i32, i32, i32
  }
  func.func @transform_6(%arg0: i32) -> (i32, i32) {
    %c0_i32 = arith.constant 0 : i32
    %c0_i32_0 = arith.constant 0 : i32
    return %arg0, %c0_i32 : i32, i32
  }
  func.func @transform_7(%arg0: i32) -> (i32, i32) {
    %c0_i32 = arith.constant 0 : i32
    %c0_i32_0 = arith.constant 0 : i32
    return %arg0, %c0_i32 : i32, i32
  }
}

</mosaic_0001>

<sc_bundles>
// kernel: kernel.6.cloned.1.call-start
scs
__scs_entry_jumppad:
0x0: {  	(pc) =	sbr.rel $0x88, $3  }
0x1: {  	(tag) =	ssettag $0x0;
	lr =	simm.s32 $0x1  }
0x2: {  	[smem:$0x3F9B] =	sst lr;
	_ =	strace $0xD0000000  }
0x3: {  	_ = 	snop  }
0x4: {  	_ = 	snop  }
0x5: {  	_ = 	snop  }
0x6: {  	_ = 	snop  }
0x7: {  	_ = 	snop  }
__scs_overlays_trampoline_lowered:
0x8: {  	[smem:$0x3FAA] =	sst s0  }
0x9: {  	[smem:$0x3FAB] =	sst s1  }
0xa: {  	[smem:$0x3FAC] =	sst s2  }
0xb: {  	[smem:$0x3FAD] =	sst s3  }
0xc: {  	[smem:$0x3FAE] =	sst s4  }
0xd: {  	[smem:$0x3FAF] =	sst s5  }
0xe: {  	[smem:$0x3FB0] =	sst s6  }
0xf: {  	[smem:$0x3FB1] =	sst s7  }
0x10: {  	[smem:$0x3FB2] =	sst s8  }
0x11: {  	[smem:$0x3FB3] =	sst s9;
	s0 =	simm.s32 @!p0 $0x0  }
0x12: {  	s1 =	sld [smem:$0x3F99];
	s0 =	simm.s32 @p0 $0x1  }
0x13: {  	[smem:$0x3FB4] =	sst s0;
	s0 =	simm.s32 @!p1 $0x0  }
0x14: {  	s2 =	sld [smem:$0x3F98];
	s0 =	simm.s32 @p1 $0x1  }
0x15: {  	[smem:$0x3FB5] =	sst s0;
	s0 =	simm.s32 @!p2 $0x0  }
0x16: {  	s3 =	sld [smem:$0x3FDB];
	s0 =	simm.s32 @p2 $0x1  }
0x17: {  	s4 =	simm.s32 $0x1BF5;
	[smem:$0x3FB7] =	sst s0  }
0x18: {  	s0 =	sld [smem:$0x3F9A];
	_ =	swait.ge [sflag:s4], $0x0  }
0x19: {  	s7 =	sld [smem:$0x3F9B]  }
0x1a: {  	s8 =	sadd.s32 $0xFFFFE003, lr  }
0x1b: {  	s9 =	sadd.s32 $0xFFFFFEF7, lr;
	s5 =	simm.s32 $0xFFFFFFFF;
	p2 =	slt.u32 s8, $0xFFFFF086  }
0x1c: {  	p1 =	slt.u32 s9, $0xF7A;
	s5 =	simm.s32 @!p2 $0x0  }
0x1d: {  	s5 =	simm.s32 @p1 $0x1;
	p0 =	seq.s32 s7, s2  }
0x1e: {  	s7 =	smul.u32 @!p0 $0xF7A, s2;
	p2 =	seq.s32 @!p0 s5, $0x0  }
0x1f: {  	s9 =	smul.u32 $0xF7A, s1;
	s8 =	simm.s32 @!p0 $0x1BF5;
	p2 =	por !p2, p0  }
0x20: {  	[sflag:s8] =	ssyncset.s32 @!p0 $0xFFFFF086;
	s6 =	sadd.s32 @!p0 s3, s7;
	s7 =	simm.s32 @!p0 $0x108  }
0x21: {  	s3 =	sadd.s32 s3, s9;
	s6 =	sadd.s32 @!p0 $0x88, s6;
	s7 =	simm.s32 @p2 $0x1082  }
0x22: {  	[simem:s7], [sflag:s8] =	dma.local @!p0 [hbm:s6], $0xF7A  }
0x23: {  	s9 =	sor.u32 $0xD0000000, s2;
	s6 =	simm.s32 $0x108;
	_ =	swait.ge @!p0 [sflag:s8], $0x0  }
0x24: {  	s3 =	sadd.s32 $0x88, s3;
	s6 =	simm.s32 @!p1 $0x1082;
	[sflag:s4] =	ssyncset.s32 $0xFFFFF086  }
0x25: {  	[simem:s6], [sflag:s4] =	dma.local [hbm:s3], $0xF7A  }
0x26: {  	[smem:$0x3F9B] =	sst s1;
	(tag) =	ssettag s2;
	_ =	strace s9  }
0x27: {  	s1 =	sld [smem:$0x3FAB]  }
0x28: {  	s2 =	sld [smem:$0x3FAC]  }
0x29: {  	s4 =	sld [smem:$0x3FAE]  }
0x2a: {  	p0 =	seq.s32 s5, $0x0;
	s5 =	sld [smem:$0x3FAF]  }
0x2b: {  	s6 =	sld [smem:$0x3FB0]  }
0x2c: {  	s7 =	sld [smem:$0x3FB1]  }
0x2d: {  	s3 =	simm.s32 $0x108;
	s8 =	sld [smem:$0x3FB2]  }
0x2e: {  	s3 =	simm.s32 @!p0 $0x1082;
	s9 =	sld [smem:$0x3FB3]  }
0x2f: {  	lr =	sadd.s32 s0, s3;
	s0 =	sld [smem:$0x3FAA]  }
0x30: {  	s3 =	sld [smem:$0x3FAD]  }
0x31: {  	[smem:$0x3FB6] =	sst s10  }
0x32: {  	s10 =	sld [smem:$0x3FB4];
	_ =	sdelay $0x3  }
0x33: {  	p0 =	seq.s32 s10, $0x1;
	s10 =	sld [smem:$0x3FB6];
	_ =	sdelay $0x3  }
0x34: {  	[smem:$0x3FB6] =	sst s10  }
0x35: {  	s10 =	sld [smem:$0x3FB5];
	_ =	sdelay $0x3  }
0x36: {  	p1 =	seq.s32 s10, $0x1;
	s10 =	sld [smem:$0x3FB6];
	_ =	sdelay $0x3  }
0x37: {  	[smem:$0x3FB6] =	sst s10  }
0x38: {  	s10 =	sld [smem:$0x3FB7]  }
0x39: {  	_ = 	snop;
	(pc) =	sbr.ind lr, $3  }
0x3a: {  	_ = 	snop  }
0x3b: {  	_ = 	snop  }
0x3c: {  	p2 =	seq.s32 s10, $0x1;
	s10 =	sld [smem:$0x3FB6]  }
0x3d: {  	_ =	shalt  }
0x3e: {  	_ =	shalt  }
0x3f: {  	_ =	shalt  }
0x40: {  	_ =	shalt  }
0x41: {  	_ =	shalt  }
0x42: {  	_ =	shalt  }
0x43: {  	_ =	shalt  }
0x44: {  	_ =	shalt  }
0x45: {  	_ =	shalt  }
0x46: {  	_ =	shalt  }
0x47: {  	_ =	shalt  }
0x48: {  	_ =	shalt  }
0x49: {  	_ =	shalt  }
0x4a: {  	_ =	shalt  }
0x4b: {  	_ =	shalt  }
0x4c: {  	_ =	shalt  }
0x4d: {  	_ =	shalt  }
0x4e: {  	_ =	shalt  }
0x4f: {  	_ =	shalt  }
0x50: {  	_ =	shalt  }
0x51: {  	_ =	shalt  }
0x52: {  	_ =	shalt  }
0x53: {  	_ =	shalt  }
0x54: {  	_ =	shalt  }
0x55: {  	_ =	shalt  }
0x56: {  	_ =	shalt  }
0x57: {  	_ =	shalt  }
0x58: {  	_ =	shalt  }
0x59: {  	_ =	shalt  }
0x5a: {  	_ =	shalt  }
0x5b: {  	_ =	shalt  }
0x5c: {  	_ =	shalt  }
0x5d: {  	_ =	shalt  }
0x5e: {  	_ =	shalt  }
0x5f: {  	_ =	shalt  }
0x60: {  	_ =	shalt  }
0x61: {  	_ =	shalt  }
0x62: {  	_ =	shalt  }
0x63: {  	_ =	shalt  }
0x64: {  	_ =	shalt  }
0x65: {  	_ =	shalt  }
0x66: {  	_ =	shalt  }
0x67: {  	_ =	shalt  }
0x68: {  	_ =	shalt  }
0x69: {  	_ =	shalt  }
0x6a: {  	_ =	shalt  }
0x6b: {  	_ =	shalt  }
0x6c: {  	_ =	shalt  }
0x6d: {  	_ =	shalt  }
0x6e: {  	_ =	shalt  }
0x6f: {  	_ =	shalt  }
0x70: {  	_ =	shalt  }
0x71: {  	_ =	shalt  }
0x72: {  	_ =	shalt  }
0x73: {  	_ =	shalt  }
0x74: {  	_ =	shalt  }
0x75: {  	_ =	shalt  }
0x76: {  	_ =	shalt  }
0x77: {  	_ =	shalt  }
0x78: {  	_ =	shalt  }
0x79: {  	_ =	shalt  }
0x7a: {  	_ =	shalt  }
0x7b: {  	_ =	shalt  }
0x7c: {  	_ =	shalt  }
0x7d: {  	_ =	shalt  }
0x7e: {  	_ =	shalt  }
0x7f: {  	_ =	shalt  }
0x80: {  	_ =	shalt  }
0x81: {  	_ =	shalt  }
0x82: {  	_ =	shalt  }
0x83: {  	_ =	shalt  }
0x84: {  	_ =	shalt  }
0x85: {  	_ =	shalt  }
0x86: {  	_ =	shalt  }
0x87: {  	_ =	shalt  }
.Lfunc_end0:
.L_simem_size_0:
called_computation_lowered:
.L_overlay_start_0:
0x88: {  	s2 =	sld [smem:$0x3FD9]  }
0x89: {  	s3 =	sld [smem:$0x3FFE];
	_ =	sdelay $0x1  }
0x8a: {  	s1 =	srdreg.scid  }
0x8b: {  	s0 =	sand.u32 $0x1, s1  }
0x8c: {  	s17 =	sshll.u32 s0, $0xA;
	s2 =	sadd.s32 s3, s2  }
0x8d: {  	s2 =	sadd.s32 s2, s17  }
0x8e: {  	[smem:$0x3FC2] =	sst s2  }
0x8f: {  	_ = 	snop  }
0x90: {  	s2 =	sld [smem:$0x3FD0];
	(tm) =	ssettm $0x1  }
0x91: {  	s18 =	sld [smem:$0x3FFB];
	_ =	sdelay $0x3  }
0x92: {  	_ =	strace s18  }
0x93: {  	s3 =	sld [smem:$0x3FFC];
	_ =	sdelay $0x3  }
0x94: {  	_ =	strace s3  }
0x95: {  	s3 =	sld [smem:$0x3FFD];
	_ =	sdelay $0x3  }
0x96: {  	_ =	strace s3  }
0x97: {  	_ =	strace $0x8FFFFFFF  }
0x98: {  	s19 =	sld [smem:$0x3FDB];
	_ =	sdelay $0x1  }
0x99: {  	s4 =	simm.s32 $_scs_section_size  }
0x9a: {  	s5 =	simm.s32 $_size__tile_overlayer_lowered;
	s6 =	simm.s32 $_tile_overlayer_lowered  }
0x9b: {  	s22 =	simm.s32 $0x1BFF;
	s21 =	sshll.u32 s6, $0x1;
	s3 =	sadd.s32 s4, s19  }
0x9c: {  	s7 =	simm.s32 $0x0;
	s20 =	sshll.u32 s5, $0x1;
	s5 =	sadd.s32 s21, s3  }
0x9d: {  	[timem:s7], [sflag:s22] =	dma.local [hbm:s5], s20  }
0x9e: {  	_ =	swait.ge [sflag:s22], s20  }
0x9f: {  	s4 =	ssub.s32 $0x0, s20;
	[sflag:s22] =	ssyncset.done $0x0  }
0xa0: {  	[sflag:s22] =	ssyncadd.s32 s4;
	_ =	sdelay $0x1  }
0xa1: {  	s23 =	simm.s32 $0x1B8B  }
0xa2: {  	_ =	swait.ge [sflag:s23], $0x1  }
0xa3: {  	[sflag:s23] =	ssyncset.done $0x0  }
0xa4: {  	s25 =	simm.s32 $0x1B8E;
	s24 =	sld [smem:$0x3FFE];
	[sflag:s23] =	ssyncadd.s32 $0xFFFFFFFF  }
0xa5: {  	s26 =	simm.s32 $execute0_lowered;
	[smem:$0x3FD2] =	sst s25  }
0xa6: {  	s5 =	sshll.u32 s26, $0x1;
	_ =	strace $0x80000046;
	[dreg:$0x1] =	wrdreg $0xFFFFFFFF  }
0xa7: {  	s28 =	simm.s32 $_size_execute0_lowered;
	s3 =	sadd.s32 s3, s5;
	[dreg:$0x0] =	wrdreg $0x0  }
0xa8: {  	s5 =	sshll.u32 s28, $0x1;
	[dreg:$0x2] =	wrdreg s3  }
0xa9: {  	[dreg:$0x3] =	wrdreg s5  }
0xaa: {  	[dreg:$0x4] =	wrdreg $0xC0  }
0xab: {  	_ =	task [dreg:s7], $0x5FFFF  }
0xac: {  	[dreg:$0x1] =	wrdreg $0xFFFFFFFF  }
0xad: {  	[dreg:$0x0] =	wrdreg $0x60  }
0xae: {  	[dreg:$0x2] =	wrdreg s24  }
0xaf: {  	[dreg:$0x3] =	wrdreg s2  }
0xb0: {  	[dreg:$0x4] =	wrdreg $0x9  }
0xb1: {  	_ =	task.clear_ibuf [dreg:s7], $0x5FFFF;
	_ =	strace $0x90000046  }
0xb2: {  	s29 =	simm.s32 $0x9;
	_ =	strace $0x80000048  }
0xb3: {  	_ =	swait.ge [sflag:s29], $0x1  }
0xb4: {  	[sflag:s29] =	ssyncadd.s32 $0xFFFFFFFF  }
0xb5: {  	_ =	strace $0x90000048  }
0xb6: {  	_ =	sfence  }
0xb7: {  	s30 =	sld [smem:$0x0];
	_ =	sdelay $0x2  }
0xb8: {  	s31 =	sshll.u32 s1, $0xD;
	s1 =	sshrl.u32 s1, $0x2  }
0xb9: {  	s3 =	sand.u32 $0x4000, s31;
	s1 =	sadd.s32 s1, s30  }
0xba: {  	s0 =	sor.u32 s3, s0;
	s1 =	sshll.u32 s1, $0x11  }
0xbb: {  	s0 =	sor.u32 s1, s0  }
0xbc: {  	s0 =	sadd.s32 $0x8F2B, s0  }
0xbd: {  	[sflag:s0] =	ssyncadd.remote.s32 $0x1  }
0xbe: {  	_ =	sfence.sel $0xFFFF  }
0xbf: {  	[dreg:$0x0] =	wrdreg $0xFFFFFFFF;
	(pc) =	sbr.abs _section_cstart, $3  }
0xc0: {  	[dreg:$0x1] =	wrdreg $0xFFFFFFFF  }
0xc1: {  	_ =	task.clear_ibuf [dreg:s7], $0x2FFFF;
	_ =	strace $0x9FFFFFFF  }
0xc2: {  	(tm) =	ssettm $0x7FFFFFFF  }
0xc3: {  	_ =	shalt  }
tec
execute0_lowered:
.L_overlay_start_1:
0x0: {  	(tag) =	ssettag $0x1  }
0x1: {  	s3 =	rddreg [dreg:$0x0]  }
0x2: {  	s1 =	srdreg.scid;
	s0 =	stileid.u32  }
0x3: {  	s4 =	rddreg [dreg:$0x1];
	s9 =	simm.s32 $0x400;
	s10 =	simm.s32 $0x0  }
0x4: {  	s5 =	sand.u32 $0x1, s1;
	s2 =	sshll.u32 s0, $0x1;
	s1 =	rddreg [dreg:$0x2]  }
0x5: {  	s7 =	sshrl.u32 s0, $0x2;
	s6 =	sor.u32 s5, s2;
	s2 =	simm.s32 $0x0  }
0x6: {  	s7 =	smul.u32 $0x13C00, s7;
	s5 =	ssub.s32 $0x2, s5;
	s8 =	sshll.u32 s6, $0x7  }
0x7: {  	[smem:$0x7FF] =	sst s2;
	s6 =	smul.u32 $0x4E2, s6;
	s31 =	sshrl.u32 s5, $0x1  }
0x8: {  	s8 =	sand.u32 $0x380, s8;
	_ =	strace $0x80000047;
	s5 =	ssub.s32 s5, s31  }
0x9: {  	s7 =	sor.u32 s7, s8;
	s3 =	sadd.s32 s6, s3;
	s5 =	smax.u32 s5, $0x1  }
0xa: {  	s6 =	simm.s32 $0x1;
	s8 =	simm.s32 $0x80;
	s7 =	sshrl.u32 s7, $0x3  }
0xb: {  	v0 =	vimm.f32 $0.0e+00;
	v1 =	vimm.f32 $1.000000000e+00;
	s3 =	sadd.s32 $0x1C00, s3;
	s4 =	sadd.s32 s4, s7;
	s7 =	simm.s32 $0x2780  }
.LBB2_1:
0xc: {  	[tilespmem:s2], [sflag:$0x1] =	stream.linear.gather [hbm4b:s3+s2], $0x2710, $0x38;
	[tilespmem:$0x4F00] =	vst v63  }
0xd: {  	_ =	swait.ge [sflag:s6], $0x2710  }
0xe: {  	[sflag:s6] =	ssyncset.done $0x0  }
0xf: {  	s11 =	simm.s32 $0x0;
	[sflag:s6] =	ssyncadd.s32 $0xFFFFD8F0  }
.LBB2_2:
0x10: {  	p0 =	sne.s32 s11, $0x9C00  }
.Ltmp0:
0x11: {  	_ = 	snop;
	(pc) =	sbr.rel @p0 .LBB2_2-.Ltmp0, $3  }
0x12: {  	_ =	sdelay $0x1  }
0x13: {  	s12 =	sshra.s32 s11, $0x2  }
0x14: {  	s11 =	sadd.s32 $0x40, s11;
	[tilespmem:s12+$0x2780] =	vst v0  }
0x15: {  	s12 =	simm.s32 $0x0;
	s11 =	simm.s32 $0x40  }
.LBB2_4:
0x16: {  	p0 =	sne.s32 s11, $0x9C00;
	v2 =	vld [tilespmem:s12+$0x0];
	_ =	sdelay $0x3  }
.Ltmp1:
0x17: {  	(pc) =	sbr.rel @p0 .LBB2_4-.Ltmp1, $2  }
0x18: {  	_ =	sdelay $0x2  }
0x19: {  	s12 =	sshra.s32 s11, $0x2;
	s11 =	sadd.s32 $0x40, s11;
	[tilespmem:v2+s7+$0x0] =	vst.idx.add.f32.msk $0xffff, v1  }
0x1a: {  	v2 =	vld [tilespmem:s12+$0x0];
	_ =	sdelay $0x5  }
0x1b: {  	s10 =	sadd.s32 $0x1, s10  }
0x1c: {  	p0 =	sne.s32 s10, s5  }
.Ltmp2:
0x1d: {  	[tilespmem:v2+s7+$0x0] =	vst.idx.add.f32.msk $0xffff, v1;
	(pc) =	sbr.rel @p0 .LBB2_1-.Ltmp2, $4  }
0x1e: {  	[hbm4b:s4+s8] =	stream.strided.scatter [tilespmem:s7], [sflag:$0x1], $0x2780, s9, s8, $0x38;
	[tilespmem:$0x4F00] =	vst v63  }
0x1f: {  	_ =	swait.ge [sflag:s6], $0x2780  }
0x20: {  	[sflag:s6] =	ssyncset.done $0x0  }
0x21: {  	[sflag:s6] =	ssyncadd.s32 $0xFFFFD880  }
0x22: {  	_ =	sfence.sel $0x180000  }
0x23: {  	[bflag:$0x0] =	sbarrier.arrive $0xFFFF  }
0x24: {  	p0 =	sne.s32 s0, $0x0;
	_ =	strace $0x90000047  }
0x25: {  	s0 =	sadd.s32 @!p0 $0x100000, s1;
	[bflag:$0x2] =	sbarrier.arrive $0xFFFF  }
0x26: {  	[sflag:s0] =	ssyncadd.tile.s32 @!p0 $0x1;
	_ =	shalt  }
.Lfunc_end2:
_tile_overlayer_lowered:
.L_overlay_start_2:
0x27: {  	(tag) =	ssettag $0x2  }
0x28: {  	s0 =	rddreg [dreg:$0x0];
	s2 =	stileid.u32  }
0x29: {  	s1 =	rddreg [dreg:$0x1];
	p0 =	sne.s32 s2, $0x0  }
0x2a: {  	s3 =	rddreg [dreg:$0x2];
	[bflag:$0x3] =	sbarrier.arrive $0xFFFF;
	s2 =	simm.s32 @!p0 $0x1C01  }
0x2b: {  	[timem:s3], [sflag:s2] =	dma.local @!p0 [hbm:s0], s1  }
0x2c: {  	s0 =	simm.s32 @!p0 $0x1  }
0x2d: {  	_ =	swait.ge @!p0 [sflag:s0], s1  }
0x2e: {  	s1 =	ssub.s32 @!p0 $0x0, s1;
	[sflag:s0] =	ssyncset.done @!p0 $0x0  }
0x2f: {  	[sflag:s0] =	ssyncadd.s32 @!p0 s1  }
0x30: {  	[bflag:$0x3] =	sbarrier.arrive $0xFFFF  }
0x31: {  	_ =	shalt  }

// kernel: kernel.9.cloned.1.call-start
scs
__scs_entry_jumppad:
0x0: {  	(pc) =	sbr.rel $0x88, $3  }
0x1: {  	(tag) =	ssettag $0x0;
	lr =	simm.s32 $0x1  }
0x2: {  	[smem:$0x3F9B] =	sst lr;
	_ =	strace $0xD0000000  }
0x3: {  	_ = 	snop  }
0x4: {  	_ = 	snop  }
0x5: {  	_ = 	snop  }
0x6: {  	_ = 	snop  }
0x7: {  	_ = 	snop  }
__scs_overlays_trampoline_lowered:
0x8: {  	[smem:$0x3FAA] =	sst s0  }
0x9: {  	[smem:$0x3FAB] =	sst s1  }
0xa: {  	[smem:$0x3FAC] =	sst s2  }
0xb: {  	[smem:$0x3FAD] =	sst s3  }
0xc: {  	[smem:$0x3FAE] =	sst s4  }
0xd: {  	[smem:$0x3FAF] =	sst s5  }
0xe: {  	[smem:$0x3FB0] =	sst s6  }
0xf: {  	[smem:$0x3FB1] =	sst s7  }
0x10: {  	[smem:$0x3FB2] =	sst s8  }
0x11: {  	[smem:$0x3FB3] =	sst s9;
	s0 =	simm.s32 @!p0 $0x0  }
0x12: {  	s1 =	sld [smem:$0x3F99];
	s0 =	simm.s32 @p0 $0x1  }
0x13: {  	[smem:$0x3FB4] =	sst s0;
	s0 =	simm.s32 @!p1 $0x0  }
0x14: {  	s2 =	sld [smem:$0x3F98];
	s0 =	simm.s32 @p1 $0x1  }
0x15: {  	[smem:$0x3FB5] =	sst s0;
	s0 =	simm.s32 @!p2 $0x0  }
0x16: {  	s3 =	sld [smem:$0x3FDB];
	s0 =	simm.s32 @p2 $0x1  }
0x17: {  	s4 =	simm.s32 $0x1BF5;
	[smem:$0x3FB7] =	sst s0  }
0x18: {  	s0 =	sld [smem:$0x3F9A];
	_ =	swait.ge [sflag:s4], $0x0  }
0x19: {  	s7 =	sld [smem:$0x3F9B]  }
0x1a: {  	s8 =	sadd.s32 $0xFFFFE003, lr  }
0x1b: {  	s9 =	sadd.s32 $0xFFFFFEF7, lr;
	s5 =	simm.s32 $0xFFFFFFFF;
	p2 =	slt.u32 s8, $0xFFFFF086  }
0x1c: {  	p1 =	slt.u32 s9, $0xF7A;
	s5 =	simm.s32 @!p2 $0x0  }
0x1d: {  	s5 =	simm.s32 @p1 $0x1;
	p0 =	seq.s32 s7, s2  }
0x1e: {  	s7 =	smul.u32 @!p0 $0xF7A, s2;
	p2 =	seq.s32 @!p0 s5, $0x0  }
0x1f: {  	s9 =	smul.u32 $0xF7A, s1;
	s8 =	simm.s32 @!p0 $0x1BF5;
	p2 =	por !p2, p0  }
0x20: {  	[sflag:s8] =	ssyncset.s32 @!p0 $0xFFFFF086;
	s6 =	sadd.s32 @!p0 s3, s7;
	s7 =	simm.s32 @!p0 $0x108  }
0x21: {  	s3 =	sadd.s32 s3, s9;
	s6 =	sadd.s32 @!p0 $0x88, s6;
	s7 =	simm.s32 @p2 $0x1082  }
0x22: {  	[simem:s7], [sflag:s8] =	dma.local @!p0 [hbm:s6], $0xF7A  }
0x23: {  	s9 =	sor.u32 $0xD0000000, s2;
	s6 =	simm.s32 $0x108;
	_ =	swait.ge @!p0 [sflag:s8], $0x0  }
0x24: {  	s3 =	sadd.s32 $0x88, s3;
	s6 =	simm.s32 @!p1 $0x1082;
	[sflag:s4] =	ssyncset.s32 $0xFFFFF086  }
0x25: {  	[simem:s6], [sflag:s4] =	dma.local [hbm:s3], $0xF7A  }
0x26: {  	[smem:$0x3F9B] =	sst s1;
	(tag) =	ssettag s2;
	_ =	strace s9  }
0x27: {  	s1 =	sld [smem:$0x3FAB]  }
0x28: {  	s2 =	sld [smem:$0x3FAC]  }
0x29: {  	s4 =	sld [smem:$0x3FAE]  }
0x2a: {  	p0 =	seq.s32 s5, $0x0;
	s5 =	sld [smem:$0x3FAF]  }
0x2b: {  	s6 =	sld [smem:$0x3FB0]  }
0x2c: {  	s7 =	sld [smem:$0x3FB1]  }
0x2d: {  	s3 =	simm.s32 $0x108;
	s8 =	sld [smem:$0x3FB2]  }
0x2e: {  	s3 =	simm.s32 @!p0 $0x1082;
	s9 =	sld [smem:$0x3FB3]  }
0x2f: {  	lr =	sadd.s32 s0, s3;
	s0 =	sld [smem:$0x3FAA]  }
0x30: {  	s3 =	sld [smem:$0x3FAD]  }
0x31: {  	[smem:$0x3FB6] =	sst s10  }
0x32: {  	s10 =	sld [smem:$0x3FB4];
	_ =	sdelay $0x3  }
0x33: {  	p0 =	seq.s32 s10, $0x1;
	s10 =	sld [smem:$0x3FB6];
	_ =	sdelay $0x3  }
0x34: {  	[smem:$0x3FB6] =	sst s10  }
0x35: {  	s10 =	sld [smem:$0x3FB5];
	_ =	sdelay $0x3  }
0x36: {  	p1 =	seq.s32 s10, $0x1;
	s10 =	sld [smem:$0x3FB6];
	_ =	sdelay $0x3  }
0x37: {  	[smem:$0x3FB6] =	sst s10  }
0x38: {  	s10 =	sld [smem:$0x3FB7]  }
0x39: {  	_ = 	snop;
	(pc) =	sbr.ind lr, $3  }
0x3a: {  	_ = 	snop  }
0x3b: {  	_ = 	snop  }
0x3c: {  	p2 =	seq.s32 s10, $0x1;
	s10 =	sld [smem:$0x3FB6]  }
0x3d: {  	_ =	shalt  }
0x3e: {  	_ =	shalt  }
0x3f: {  	_ =	shalt  }
0x40: {  	_ =	shalt  }
0x41: {  	_ =	shalt  }
0x42: {  	_ =	shalt  }
0x43: {  	_ =	shalt  }
0x44: {  	_ =	shalt  }
0x45: {  	_ =	shalt  }
0x46: {  	_ =	shalt  }
0x47: {  	_ =	shalt  }
0x48: {  	_ =	shalt  }
0x49: {  	_ =	shalt  }
0x4a: {  	_ =	shalt  }
0x4b: {  	_ =	shalt  }
0x4c: {  	_ =	shalt  }
0x4d: {  	_ =	shalt  }
0x4e: {  	_ =	shalt  }
0x4f: {  	_ =	shalt  }
0x50: {  	_ =	shalt  }
0x51: {  	_ =	shalt  }
0x52: {  	_ =	shalt  }
0x53: {  	_ =	shalt  }
0x54: {  	_ =	shalt  }
0x55: {  	_ =	shalt  }
0x56: {  	_ =	shalt  }
0x57: {  	_ =	shalt  }
0x58: {  	_ =	shalt  }
0x59: {  	_ =	shalt  }
0x5a: {  	_ =	shalt  }
0x5b: {  	_ =	shalt  }
0x5c: {  	_ =	shalt  }
0x5d: {  	_ =	shalt  }
0x5e: {  	_ =	shalt  }
0x5f: {  	_ =	shalt  }
0x60: {  	_ =	shalt  }
0x61: {  	_ =	shalt  }
0x62: {  	_ =	shalt  }
0x63: {  	_ =	shalt  }
0x64: {  	_ =	shalt  }
0x65: {  	_ =	shalt  }
0x66: {  	_ =	shalt  }
0x67: {  	_ =	shalt  }
0x68: {  	_ =	shalt  }
0x69: {  	_ =	shalt  }
0x6a: {  	_ =	shalt  }
0x6b: {  	_ =	shalt  }
0x6c: {  	_ =	shalt  }
0x6d: {  	_ =	shalt  }
0x6e: {  	_ =	shalt  }
0x6f: {  	_ =	shalt  }
0x70: {  	_ =	shalt  }
0x71: {  	_ =	shalt  }
0x72: {  	_ =	shalt  }
0x73: {  	_ =	shalt  }
0x74: {  	_ =	shalt  }
0x75: {  	_ =	shalt  }
0x76: {  	_ =	shalt  }
0x77: {  	_ =	shalt  }
0x78: {  	_ =	shalt  }
0x79: {  	_ =	shalt  }
0x7a: {  	_ =	shalt  }
0x7b: {  	_ =	shalt  }
0x7c: {  	_ =	shalt  }
0x7d: {  	_ =	shalt  }
0x7e: {  	_ =	shalt  }
0x7f: {  	_ =	shalt  }
0x80: {  	_ =	shalt  }
0x81: {  	_ =	shalt  }
0x82: {  	_ =	shalt  }
0x83: {  	_ =	shalt  }
0x84: {  	_ =	shalt  }
0x85: {  	_ =	shalt  }
0x86: {  	_ =	shalt  }
0x87: {  	_ =	shalt  }
.Lfunc_end0:
.L_simem_size_0:
called_computation.1_lowered:
.L_overlay_start_0:
0x88: {  	s2 =	sld [smem:$0x3FD9]  }
0x89: {  	s3 =	sld [smem:$0x3FFE];
	_ =	sdelay $0x1  }
0x8a: {  	s1 =	srdreg.scid  }
0x8b: {  	s0 =	sand.u32 $0x1, s1  }
0x8c: {  	s17 =	sshll.u32 s0, $0xA;
	s2 =	sadd.s32 s3, s2  }
0x8d: {  	s2 =	sadd.s32 s2, s17  }
0x8e: {  	[smem:$0x3FC2] =	sst s2  }
0x8f: {  	_ = 	snop  }
0x90: {  	s2 =	sld [smem:$0x3FD0];
	(tm) =	ssettm $0x1  }
0x91: {  	s18 =	sld [smem:$0x3FFB];
	_ =	sdelay $0x3  }
0x92: {  	_ =	strace s18  }
0x93: {  	s3 =	sld [smem:$0x3FFC];
	_ =	sdelay $0x3  }
0x94: {  	_ =	strace s3  }
0x95: {  	s3 =	sld [smem:$0x3FFD];
	_ =	sdelay $0x3  }
0x96: {  	_ =	strace s3  }
0x97: {  	_ =	strace $0x8FFFFFFF  }
0x98: {  	s19 =	sld [smem:$0x3FDB];
	_ =	sdelay $0x1  }
0x99: {  	s4 =	simm.s32 $_scs_section_size  }
0x9a: {  	s5 =	simm.s32 $_size__tile_overlayer_lowered;
	s6 =	simm.s32 $_tile_overlayer_lowered  }
0x9b: {  	s22 =	simm.s32 $0x1BFF;
	s21 =	sshll.u32 s6, $0x1;
	s3 =	sadd.s32 s4, s19  }
0x9c: {  	s7 =	simm.s32 $0x0;
	s20 =	sshll.u32 s5, $0x1;
	s5 =	sadd.s32 s21, s3  }
0x9d: {  	[timem:s7], [sflag:s22] =	dma.local [hbm:s5], s20  }
0x9e: {  	_ =	swait.ge [sflag:s22], s20  }
0x9f: {  	s4 =	ssub.s32 $0x0, s20;
	[sflag:s22] =	ssyncset.done $0x0  }
0xa0: {  	[sflag:s22] =	ssyncadd.s32 s4;
	_ =	sdelay $0x1  }
0xa1: {  	s23 =	simm.s32 $0x1B8B  }
0xa2: {  	_ =	swait.ge [sflag:s23], $0x1  }
0xa3: {  	[sflag:s23] =	ssyncset.done $0x0  }
0xa4: {  	s25 =	simm.s32 $0x1B8E;
	s24 =	sld [smem:$0x3FFE];
	[sflag:s23] =	ssyncadd.s32 $0xFFFFFFFF  }
0xa5: {  	s26 =	simm.s32 $execute0_lowered;
	[smem:$0x3FD2] =	sst s25  }
0xa6: {  	s5 =	sshll.u32 s26, $0x1;
	_ =	strace $0x80000049;
	[dreg:$0x1] =	wrdreg $0xFFFFFFFF  }
0xa7: {  	s28 =	simm.s32 $_size_execute0_lowered;
	s3 =	sadd.s32 s3, s5;
	[dreg:$0x0] =	wrdreg $0x0  }
0xa8: {  	s5 =	sshll.u32 s28, $0x1;
	[dreg:$0x2] =	wrdreg s3  }
0xa9: {  	[dreg:$0x3] =	wrdreg s5  }
0xaa: {  	[dreg:$0x4] =	wrdreg $0xC0  }
0xab: {  	_ =	task [dreg:s7], $0x5FFFF  }
0xac: {  	[dreg:$0x1] =	wrdreg $0xFFFFFFFF  }
0xad: {  	[dreg:$0x0] =	wrdreg $0x60  }
0xae: {  	[dreg:$0x2] =	wrdreg s2  }
0xaf: {  	[dreg:$0x3] =	wrdreg s24  }
0xb0: {  	[dreg:$0x4] =	wrdreg $0x98000  }
0xb1: {  	[dreg:$0x5] =	wrdreg $0x9  }
0xb2: {  	_ =	task.clear_ibuf [dreg:s7], $0x6FFFF;
	_ =	strace $0x90000049  }
0xb3: {  	s29 =	simm.s32 $0x9;
	_ =	strace $0x8000004B  }
0xb4: {  	_ =	swait.ge [sflag:s29], $0x1  }
0xb5: {  	[sflag:s29] =	ssyncadd.s32 $0xFFFFFFFF  }
0xb6: {  	_ =	strace $0x9000004B  }
0xb7: {  	_ =	sfence  }
0xb8: {  	s30 =	sld [smem:$0x0];
	_ =	sdelay $0x2  }
0xb9: {  	s31 =	sshll.u32 s1, $0xD;
	s1 =	sshrl.u32 s1, $0x2  }
0xba: {  	s3 =	sand.u32 $0x4000, s31;
	s1 =	sadd.s32 s1, s30  }
0xbb: {  	s0 =	sor.u32 s3, s0;
	s1 =	sshll.u32 s1, $0x11  }
0xbc: {  	s0 =	sor.u32 s1, s0  }
0xbd: {  	s0 =	sadd.s32 $0x8F2B, s0  }
0xbe: {  	[sflag:s0] =	ssyncadd.remote.s32 $0x1  }
0xbf: {  	_ =	sfence.sel $0xFFFF  }
0xc0: {  	[dreg:$0x0] =	wrdreg $0xFFFFFFFF;
	(pc) =	sbr.abs _section_cstart, $3  }
0xc1: {  	[dreg:$0x1] =	wrdreg $0xFFFFFFFF  }
0xc2: {  	_ =	task.clear_ibuf [dreg:s7], $0x2FFFF;
	_ =	strace $0x9FFFFFFF  }
0xc3: {  	(tm) =	ssettm $0x7FFFFFFF  }
tec
execute0_lowered:
.L_overlay_start_1:
0x0: {  	(tag) =	ssettag $0x1  }
0x1: {  	s1 =	rddreg [dreg:$0x0]  }
0x2: {  	s8 =	rddreg [dreg:$0x1]  }
0x3: {  	s3 =	rddreg [dreg:$0x2];
	s4 =	simm.s32 $0x0  }
0x4: {  	s5 =	srdreg.scid;
	s0 =	stileid.u32;
	s14 =	simm.s32 $0x5  }
0x5: {  	s16 =	simm.s32 $0x800;
	s17 =	simm.s32 $0x400;
	s18 =	simm.s32 $0xC00  }
0x6: {  	s19 =	simm.s32 $0x3;
	s20 =	simm.s32 $0x80;
	s21 =	simm.s32 $0x1000  }
0x7: {  	s22 =	simm.s32 $0x5000;
	s23 =	simm.s32 $0x1;
	s7 =	smul.u32 $0x50, s0  }
0x8: {  	[smem:$0x7FF] =	sst s4;
	s6 =	sand.u32 $0x1, s5;
	s11 =	smul.u32 $0x50000, s0  }
0x9: {  	s5 =	sadd.s32 $0xBA00, s8;
	s25 =	smul.u32 $0x2800, s0;
	_ =	strace $0x8000004A  }
0xa: {  	s9 =	smul.u32 $0x28000, s6;
	p0 =	seq.s32 s6, $0x0;
	s6 =	ssub.s32 $0x2, s6  }
0xb: {  	s10 =	sadd.s32 $0x500, s7;
	s29 =	sshrl.u32 s6, $0x1;
	s30 =	sshrl.u32 s11, $0x2  }
0xc: {  	s12 =	sadd.s32 s9, s8;
	s10 =	smov.u32 @p0 s7;
	s13 =	ssub.s32 s6, s29  }
.Ltmp0:
0xd: {  	s6 =	sadd.s32 s30, s3;
	s8 =	sadd.s32 $0x15A00, s8;
	(pc) =	sbr.rel .LBB2_1-.Ltmp0, $4  }
0xe: {  	s15 =	sshll.u32 s10, $0x4;
	s31 =	sshrl.u32 s10, $0x3;
	s24 =	sadd.s32 $0x1FA00, s12  }
0xf: {  	s12 =	smax.u32 s13, $0x1;
	s13 =	simm.s32 $0x9000;
	s7 =	sadd.s32 s5, s15  }
0x10: {  	s9 =	sor.u32 $0x80, s15;
	s11 =	sadd.s32 $0x2, s31;
	s15 =	sadd.s32 s15, s8  }
0x11: {  	v0 =	vimm.f32 $0.0e+00;
	s24 =	sadd.s32 s25, s24;
	s25 =	simm.s32 $0x2;
	s10 =	sadd.s32 s5, s9  }
.LBB2_11:
0x12: {  	_ =	swait.ge [sflag:s25], $0x4000  }
0x13: {  	[sflag:s25] =	ssyncset.done $0x0  }
0x14: {  	s0 =	sadd.s32 $0xC80, s29;
	[sflag:s25] =	ssyncadd.s32 $0xFFFFC000  }
0x15: {  	[spmem:s3] =	stream.indirect.scatter.add.f32 [tilespmem:s22], [sflag:$0x5], $0x80, s0, s20, $0xb8;
	[tilespmem:$0x1D800] =	vst v63  }
0x16: {  	_ =	swait.ge [sflag:s14], $0x4000  }
0x17: {  	[sflag:s14] =	ssyncset.done $0x0  }
0x18: {  	[sflag:s14] =	ssyncadd.s32 $0xFFFFC000  }
.LBB2_12:
0x19: {  	s0 =	stileid.u32;
	s4 =	sadd.s32 $0x1, s4  }
0x1a: {  	[bflag:$0x0] =	sbarrier.arrive $0xFFFF;
	s0 =	sshll.u32 s0, $0x6;
	p0 =	sne.s32 s4, s12  }
.Ltmp1:
0x1b: {  	s2 =	sshrl.u32 s6, $0x3;
	s0 =	sor.u32 $0x1C05, s0;
	(pc) =	sbr.rel @!p0 .LBB2_13-.Ltmp1, $4  }
0x1c: {  	[hbm:s24], [sflag:s0] =	dma.local [spmem:s2], $0x2800  }
0x1d: {  	_ =	swait.ge [sflag:s14], $0x2800  }
0x1e: {  	[sflag:s14] =	ssyncset.done $0x0  }
0x1f: {  	[sflag:s14] =	ssyncadd.s32 $0xFFFFD800  }
.LBB2_1:
0x20: {  	s26 =	simm.s32 $0x0;
	s28 =	simm.s32 $0x200  }
.LBB2_2:
0x21: {  	p0 =	sne.s32 s28, $0x1E00;
	[tilespmem:s26+$0x9070] =	vst v0  }
0x22: {  	[tilespmem:s26+$0x9000] =	vst v0  }
0x23: {  	[tilespmem:s26+$0x9010] =	vst v0  }
.Ltmp2:
0x24: {  	[tilespmem:s26+$0x9020] =	vst v0;
	(pc) =	sbr.rel @p0 .LBB2_2-.Ltmp2, $4  }
0x25: {  	[tilespmem:s26+$0x9030] =	vst v0  }
0x26: {  	[tilespmem:s26+$0x9040] =	vst v0  }
0x27: {  	[tilespmem:s26+$0x9050] =	vst v0  }
0x28: {  	[tilespmem:s26+$0x9060] =	vst v0;
	s26 =	sshra.s32 s28, $0x2;
	s28 =	sadd.s32 $0x200, s28  }
0x29: {  	[tilespmem:s26+$0x9070] =	vst v0  }
0x2a: {  	[tilespmem:s26+$0x9000] =	vst v0  }
0x2b: {  	[tilespmem:s26+$0x9010] =	vst v0  }
0x2c: {  	[tilespmem:s26+$0x9020] =	vst v0  }
0x2d: {  	[tilespmem:s26+$0x9030] =	vst v0  }
0x2e: {  	[tilespmem:s26+$0x9040] =	vst v0  }
0x2f: {  	[tilespmem:s26+$0x9050] =	vst v0  }
0x30: {  	[tilespmem:s26+$0x9060] =	vst v0;
	s31 =	sadd.s32 $0x0, s6  }
0x31: {  	[spmem:s31] =	stream.linear.scatter [tilespmem:s13], [sflag:$0x5], $0x800, $0x38;
	[tilespmem:$0x1D800] =	vst v63  }
0x32: {  	s26 =	simm.s32 $0x2000;
	_ =	swait.ge [sflag:s14], $0x800  }
.LBB2_4:
0x33: {  	s28 =	sshra.s32 s26, $0x2;
	[sflag:s14] =	ssyncset.done $0x0;
	p0 =	sne.s32 s26, $0x4E000  }
.Ltmp3:
0x34: {  	s28 =	sadd.s32 s28, s6;
	[sflag:s14] =	ssyncadd.s32 $0xFFFFF800;
	(pc) =	sbr.rel @p0 .LBB2_4-.Ltmp3, $3  }
0x35: {  	[spmem:s28] =	stream.linear.scatter [tilespmem:s13], [sflag:$0x5], $0x800, $0x38;
	[tilespmem:$0x1D800] =	vst v63  }
0x36: {  	s26 =	sadd.s32 $0x2000, s26;
	_ =	sdelay $0x1  }
0x37: {  	_ =	swait.ge [sflag:s14], $0x800  }
0x38: {  	[sflag:s14] =	ssyncset.done $0x0  }
0x39: {  	[sflag:s14] =	ssyncadd.s32 $0xFFFFF800  }
0x3a: {  	s26 =	simm.s32 $0x0;
	[bflag:$0x0] =	sbarrier.arrive $0xFFFF  }
0x3b: {  	[tilespmem:s26], [sflag:$0x3] =	stream.linear.gather [hbm4b:s7+s26], $0x400, $0x38;
	[tilespmem:$0x1D800] =	vst v63  }
0x3c: {  	_ = 	snop  }
0x3d: {  	[tilespmem:s16], [sflag:$0x3] =	stream.linear.gather [hbm4b:s15+s26], $0x400, $0x38;
	[tilespmem:$0x1D800] =	vst v63  }
0x3e: {  	_ = 	snop  }
0x3f: {  	[tilespmem:s17], [sflag:$0x4] =	stream.linear.gather [hbm4b:s10+s26], $0x400, $0x38;
	[tilespmem:$0x1D800] =	vst v63  }
0x40: {  	s28 =	sadd.s32 s9, s8  }
0x41: {  	[tilespmem:s18], [sflag:$0x4] =	stream.linear.gather [hbm4b:s28+s26], $0x400, $0x38;
	[tilespmem:$0x1D800] =	vst v63  }
0x42: {  	_ =	swait.ge [sflag:s19], $0x400  }
0x43: {  	[sflag:s19] =	ssyncset.done $0x0  }
0x44: {  	[sflag:s19] =	ssyncadd.s32 $0xFFFFFC00  }
0x45: {  	_ =	swait.ge [sflag:s19], $0x400  }
.Ltmp4:
0x46: {  	[sflag:s19] =	ssyncset.done $0x0;
	(pc) =	sbr.rel .LBB2_6-.Ltmp4, $4  }
0x47: {  	[sflag:s19] =	ssyncadd.s32 $0xFFFFFC00  }
0x48: {  	[tilespmem:s21], [sflag:$0x1] =	stream.indirect.gather [hbm4b:s1+s20], $0x80, s26, s20, $0xb8;
	[tilespmem:$0x1D800] =	vst v63  }
0x49: {  	s28 =	simm.s32 $0x0  }
0x4a: {  	[tilespmem:s22], [sflag:$0x2] =	stream.indirect.gather [hbm4b:s1+s20], $0x80, s20, s20, $0xb8;
	[tilespmem:$0x1D800] =	vst v63  }
.LBB2_7:
0x4b: {  	s0 =	sor.u32 $0x800, s29  }
0x4c: {  	[spmem:s3] =	stream.indirect.scatter.add.f32 [tilespmem:s21], [sflag:$0x5], $0x80, s0, s20, $0xb8;
	[tilespmem:$0x1D800] =	vst v63  }
0x4d: {  	_ =	swait.ge [sflag:s14], $0x4000  }
0x4e: {  	p0 =	seq.s32 s31, $0x6;
	s0 =	sadd.s32 $0x100, s29;
	[sflag:s14] =	ssyncset.done $0x0  }
0x4f: {  	s0 =	simm.s32 @p0 $0x400;
	[sflag:s14] =	ssyncadd.s32 $0xFFFFC000  }
0x50: {  	[tilespmem:s21], [sflag:$0x1] =	stream.indirect.gather [hbm4b:s1+s20], $0x80, s0, s20, $0xb8;
	[tilespmem:$0x1D800] =	vst v63  }
0x51: {  	_ =	swait.ge [sflag:s25], $0x4000  }
0x52: {  	[sflag:s25] =	ssyncset.done $0x0  }
0x53: {  	s31 =	sadd.s32 $0x880, s29;
	[sflag:s25] =	ssyncadd.s32 $0xFFFFC000  }
0x54: {  	[spmem:s3] =	stream.indirect.scatter.add.f32 [tilespmem:s22], [sflag:$0x5], $0x80, s31, s20, $0xb8;
	[tilespmem:$0x1D800] =	vst v63  }
0x55: {  	p1 =	slt.u32 @p0 s28, $0x20;
	_ =	swait.ge [sflag:s14], $0x4000  }
0x56: {  	s2 =	simm.s32 @p0 $0x5000;
	p1 =	por !p1, !p0;
	[sflag:s14] =	ssyncset.done $0x0  }
0x57: {  	s0 =	simm.s32 @p0 $0x80;
	s31 =	simm.s32 @p0 $0x480;
	[sflag:s14] =	ssyncadd.s32 $0xFFFFC000  }
0x58: {  	[tilespmem:s2], [sflag:$0x2] =	stream.indirect.gather @p0 [hbm4b:s1+s0], $0x80, s31, s0, $0xb8;
	[tilespmem:$0x1D800] =	vst v63  }
0x59: {  	s0 =	sadd.s32 @!p1 s30, s11  }
0x5a: {  	s0 =	sshll.u32 @!p1 s0, $0x7  }
0x5b: {  	s0 =	sand.u32 @!p1 $0x1FFFFF80, s0  }
0x5c: {  	s30 =	simm.s32 @!p1 $0x0;
	s2 =	sadd.s32 @!p1 s5, s0  }
0x5d: {  	[tilespmem:s30], [sflag:$0x3] =	stream.linear.gather @!p1 [hbm4b:s2+s30], $0x400, $0x38;
	[tilespmem:$0x1D800] =	vst v63  }
0x5e: {  	s0 =	sadd.s32 @!p1 s8, s0;
	s2 =	simm.s32 @!p1 $0x800  }
0x5f: {  	[tilespmem:s2], [sflag:$0x3] =	stream.linear.gather @!p1 [hbm4b:s0+s30], $0x400, $0x38;
	[tilespmem:$0x1D800] =	vst v63  }
0x60: {  	s0 =	sadd.s32 @!p0 $0x180, s29;
	s2 =	simm.s32 @!p0 $0x80;
	s29 =	simm.s32 @!p0 $0x5000  }
0x61: {  	[tilespmem:s29], [sflag:$0x2] =	stream.indirect.gather @!p0 [hbm4b:s1+s2], $0x80, s0, s2, $0xb8;
	[tilespmem:$0x1D800] =	vst v63  }
.LBB2_10:
0x62: {  	s28 =	sadd.s32 $0x1, s28  }
0x63: {  	p0 =	seq.s32 s28, $0x28  }
.Ltmp5:
0x64: {  	_ = 	snop;
	(pc) =	sbr.rel @p0 .LBB2_12-.Ltmp5, $2  }
0x65: {  	_ =	sdelay $0x2  }
0x66: {  	s26 =	sadd.s32 $0x2, s26  }
.LBB2_6:
0x67: {  	s31 =	sand.u32 $0x6, s26;
	p0 =	sgt.u32 s28, $0x23  }
0x68: {  	p1 =	sne.s32 @!p0 s31, $0x6  }
0x69: {  	s30 =	sshrl.u32 s28, $0x2;
	p2 =	por p1, p0  }
0x6a: {  	s29 =	sand.u32 @!p2 $0x1, s30  }
0x6b: {  	p3 =	seq.s32 @!p2 s29, $0x1  }
0x6c: {  	p1 =	por @!p0 !p3, p1  }
0x6d: {  	s29 =	simm.s32 @!p2 $0x3;
	p0 =	por !p1, p0  }
0x6e: {  	s29 =	simm.s32 @!p0 $0x4  }
0x6f: {  	_ =	swait.ge @!p2 [sflag:s29], $0x400  }
0x70: {  	[sflag:s29] =	ssyncset.done @!p2 $0x0  }
0x71: {  	[sflag:s29] =	ssyncadd.s32 @!p2 $0xFFFFFC00  }
0x72: {  	_ =	swait.ge @!p2 [sflag:s29], $0x400  }
0x73: {  	[sflag:s29] =	ssyncset.done @!p2 $0x0  }
0x74: {  	[sflag:s29] =	ssyncadd.s32 @!p2 $0xFFFFFC00;
	s29 =	sand.u32 $0x4, s28  }
0x75: {  	p0 =	sne.s32 s29, $0x0  }
.Ltmp6:
0x76: {  	_ = 	snop;
	(pc) =	sbr.rel @!p0 .LBB2_7-.Ltmp6, $4  }
0x77: {  	_ = 	snop  }
0x78: {  	_ =	swait.ge [sflag:s23], $0x4000  }
0x79: {  	s29 =	sshll.u32 s31, $0x9;
	[sflag:s23] =	ssyncset.done $0x0  }
0x7a: {  	s29 =	sshrl.u32 s29, $0x2;
	[sflag:s23] =	ssyncadd.s32 $0xFFFFC000  }
0x7b: {  	p0 =	seq.s32 s28, $0x27  }
.Ltmp7:
0x7c: {  	s0 =	sor.u32 $0xC00, s29;
	(pc) =	sbr.rel @p0 .LBB2_11-.Ltmp7, $4  }
0x7d: {  	[spmem:s3] =	stream.indirect.scatter.add.f32 [tilespmem:s21], [sflag:$0x5], $0x80, s0, s20, $0xb8;
	[tilespmem:$0x1D800] =	vst v63  }
0x7e: {  	_ =	swait.ge [sflag:s14], $0x4000  }
0x7f: {  	[sflag:s14] =	ssyncset.done $0x0  }
0x80: {  	[sflag:s14] =	ssyncadd.s32 $0xFFFFC000  }
0x81: {  	p0 =	seq.s32 s31, $0x6;
	s0 =	sadd.s32 $0x500, s29  }
0x82: {  	s0 =	simm.s32 @p0 $0x0  }
0x83: {  	[tilespmem:s21], [sflag:$0x1] =	stream.indirect.gather [hbm4b:s1+s20], $0x80, s0, s20, $0xb8;
	[tilespmem:$0x1D800] =	vst v63  }
0x84: {  	_ =	swait.ge [sflag:s25], $0x4000  }
0x85: {  	[sflag:s25] =	ssyncset.done $0x0  }
0x86: {  	s31 =	sadd.s32 $0xC80, s29;
	[sflag:s25] =	ssyncadd.s32 $0xFFFFC000  }
0x87: {  	[spmem:s3] =	stream.indirect.scatter.add.f32 [tilespmem:s22], [sflag:$0x5], $0x80, s31, s20, $0xb8;
	[tilespmem:$0x1D800] =	vst v63  }
0x88: {  	_ =	swait.ge [sflag:s14], $0x4000  }
0x89: {  	s2 =	simm.s32 @p0 $0x5000;
	p1 =	slt.u32 @p0 s28, $0x20;
	[sflag:s14] =	ssyncset.done $0x0  }
0x8a: {  	s0 =	simm.s32 @p0 $0x80;
	p1 =	por !p1, !p0;
	[sflag:s14] =	ssyncadd.s32 $0xFFFFC000  }
0x8b: {  	[tilespmem:s2], [sflag:$0x2] =	stream.indirect.gather @p0 [hbm4b:s1+s0], $0x80, s0, s0, $0xb8;
	[tilespmem:$0x1D800] =	vst v63  }
0x8c: {  	s0 =	sadd.s32 @!p1 s30, s11  }
0x8d: {  	s0 =	sshll.u32 @!p1 s0, $0x7  }
0x8e: {  	s0 =	sand.u32 @!p1 $0x1FFFFF80, s0  }
0x8f: {  	s31 =	simm.s32 @!p1 $0x400;
	s30 =	simm.s32 @!p1 $0x0;
	s2 =	sadd.s32 @!p1 s5, s0  }
0x90: {  	[tilespmem:s31], [sflag:$0x4] =	stream.linear.gather @!p1 [hbm4b:s2+s30], $0x400, $0x38;
	[tilespmem:$0x1D800] =	vst v63  }
.Ltmp8:
0x91: {  	_ = 	snop;
	(pc) =	sbr.rel .LBB2_10-.Ltmp8, $4  }
0x92: {  	s0 =	sadd.s32 @!p1 s8, s0;
	s2 =	simm.s32 @!p1 $0xC00  }
0x93: {  	[tilespmem:s2], [sflag:$0x4] =	stream.linear.gather @!p1 [hbm4b:s0+s30], $0x400, $0x38;
	[tilespmem:$0x1D800] =	vst v63  }
0x94: {  	s0 =	sadd.s32 @!p0 $0x580, s29;
	s2 =	simm.s32 @!p0 $0x80;
	s29 =	simm.s32 @!p0 $0x5000  }
0x95: {  	[tilespmem:s29], [sflag:$0x2] =	stream.indirect.gather @!p0 [hbm4b:s1+s2], $0x80, s0, s2, $0xb8;
	[tilespmem:$0x1D800] =	vst v63  }
.LBB2_13:
0x96: {  	_ =	sfence.sel $0x180000  }
0x97: {  	[bflag:$0x0] =	sbarrier.arrive $0xFFFF  }
0x98: {  	_ =	strace $0x9000004A  }
0x99: {  	s0 =	stileid.u32;
	[bflag:$0x2] =	sbarrier.arrive $0xFFFF  }
0x9a: {  	p0 =	sne.s32 s0, $0x0;
	s0 =	rddreg [dreg:$0x3]  }
0x9b: {  	s0 =	sadd.s32 @!p0 $0x100000, s0  }
0x9c: {  	[sflag:s0] =	ssyncadd.tile.s32 @!p0 $0x1;
	_ =	shalt  }
.Lfunc_end2:
_tile_overlayer_lowered:
.L_overlay_start_2:
0x9d: {  	(tag) =	ssettag $0x2  }
0x9e: {  	s0 =	rddreg [dreg:$0x0];
	s2 =	stileid.u32  }
0x9f: {  	s1 =	rddreg [dreg:$0x1];
	p0 =	sne.s32 s2, $0x0  }
0xa0: {  	s3 =	rddreg [dreg:$0x2];
	[bflag:$0x3] =	sbarrier.arrive $0xFFFF;
	s2 =	simm.s32 @!p0 $0x1C05  }
0xa1: {  	[timem:s3], [sflag:s2] =	dma.local @!p0 [hbm:s0], s1  }
0xa2: {  	s0 =	simm.s32 @!p0 $0x5  }
0xa3: {  	_ =	swait.ge @!p0 [sflag:s0], s1  }
0xa4: {  	s1 =	ssub.s32 @!p0 $0x0, s1;
	[sflag:s0] =	ssyncset.done @!p0 $0x0  }
0xa5: {  	[sflag:s0] =	ssyncadd.s32 @!p0 s1  }
0xa6: {  	[bflag:$0x3] =	sbarrier.arrive $0xFFFF  }
0xa7: {  	_ =	shalt  }

</sc_bundles>
